<compile_context>
chip_gen: v7x
topology: tpu7x:2x2x1
jax: 0.10.2.dev20260603
libtpu: 0.0.44.dev20260713+nightly
codegen_flags: <defaults>
</compile_context>

<pallas_src>
import functools

import jax
import jax.numpy as jnp
from jax import lax
from jax.experimental import pallas as pl
from jax.experimental.pallas import tpu as pltpu
from jax.experimental.pallas import tpu_sc as plsc

_NT = 16
_NC = 2
_NW = _NC * _NT
_CH = 128


def _pad_to(v, m):
    return ((v + m - 1) // m) * m


def _sc_degree(dst_blocks, zeros1, n_pad):
    k_chunks = dst_blocks.shape[1]
    rpt = n_pad // _NT
    mesh = plsc.VectorSubcoreMesh(core_axis_name="c", subcore_axis_name="s")

    @functools.partial(
        pl.kernel, mesh=mesh,
        out_type=jax.ShapeDtypeStruct((_NC, n_pad), jnp.float32),
        scratch_types=[
            pltpu.VMEM((k_chunks, _CH), jnp.int32),
            pltpu.VMEM((_CH,), jnp.float32),
            pltpu.VMEM_SHARED((n_pad,), jnp.float32),
        ],
    )
    def deg_kernel(dst_hbm, zero_hbm, out_hbm, dst_v, ones_v, acc_sh):
        c = lax.axis_index("c")
        s = lax.axis_index("s")
        wid = c * _NT + s
        r0 = s * rpt
        for i in range(_CH // 16):
            ones_v[pl.ds(i * 16, 16)] = jnp.ones((16,), jnp.float32)
        pltpu.sync_copy(zero_hbm.at[pl.ds(r0, rpt)], acc_sh.at[pl.ds(r0, rpt)])
        pltpu.sync_copy(dst_hbm.at[wid], dst_v)
        plsc.subcore_barrier()

        def body(j, carry):
            pltpu.sync_copy(ones_v, acc_sh.at[dst_v.at[j]], add=True)
            return carry

        lax.fori_loop(0, k_chunks, body, 0)
        plsc.subcore_barrier()
        pltpu.sync_copy(acc_sh.at[pl.ds(r0, rpt)], out_hbm.at[c, pl.ds(r0, rpt)])

    return deg_kernel(dst_blocks, zeros1)


def _sc_spmm(z_pad, src_blocks, dst_blocks, zeros2):
    n_pad, d = z_pad.shape
    k_chunks = src_blocks.shape[1]
    rpt = n_pad // _NT
    mesh = plsc.VectorSubcoreMesh(core_axis_name="c", subcore_axis_name="s")

    @functools.partial(
        pl.kernel, mesh=mesh,
        out_type=jax.ShapeDtypeStruct((_NC, n_pad, d), jnp.float32),
        scratch_types=[
            pltpu.VMEM((k_chunks, _CH), jnp.int32),
            pltpu.VMEM((k_chunks, _CH), jnp.int32),
            pltpu.VMEM((_CH, d), jnp.float32),
            pltpu.VMEM_SHARED((n_pad, d), jnp.float32),
            pltpu.SemaphoreType.DMA,
        ],
    )
    def spmm_kernel(z_hbm, src_hbm, dst_hbm, zero_hbm, out_hbm,
                    src_v, dst_v, rows_v, acc_sh, sem):
        c = lax.axis_index("c")
        s = lax.axis_index("s")
        wid = c * _NT + s
        r0 = s * rpt
        pltpu.sync_copy(zero_hbm.at[pl.ds(r0, rpt)], acc_sh.at[pl.ds(r0, rpt)])
        pltpu.sync_copy(src_hbm.at[wid], src_v)
        pltpu.sync_copy(dst_hbm.at[wid], dst_v)
        plsc.subcore_barrier()

        def body(j, carry):
            pltpu.async_copy(z_hbm.at[src_v.at[j]], rows_v, sem).wait()
            pltpu.sync_copy(rows_v, acc_sh.at[dst_v.at[j]], add=True)
            return carry

        lax.fori_loop(0, k_chunks, body, 0)
        plsc.subcore_barrier()
        pltpu.sync_copy(acc_sh.at[pl.ds(r0, rpt)],
                        out_hbm.at[c, pl.ds(r0, rpt)])

    return spmm_kernel(z_pad, src_blocks, dst_blocks, zeros2)


def _tc_layer1(x_pad, W1, deg0, deg1, block_n):
    n_pad, din = x_pad.shape
    dh = W1.shape[1]

    def body(x_ref, w_ref, d0_ref, d1_ref, z_ref, dis_ref):
        deg = d0_ref[...] + d1_ref[...] + 1.0
        dis = lax.rsqrt(deg)
        y = jnp.dot(x_ref[...], w_ref[...], preferred_element_type=jnp.float32)
        z_ref[...] = y * dis
        dis_ref[...] = dis

    return pl.pallas_call(
        body,
        grid=(n_pad // block_n,),
        in_specs=[
            pl.BlockSpec((block_n, din), lambda i: (i, 0)),
            pl.BlockSpec((din, dh), lambda i: (0, 0)),
            pl.BlockSpec((block_n, 1), lambda i: (i, 0)),
            pl.BlockSpec((block_n, 1), lambda i: (i, 0)),
        ],
        out_specs=[
            pl.BlockSpec((block_n, dh), lambda i: (i, 0)),
            pl.BlockSpec((block_n, 1), lambda i: (i, 0)),
        ],
        out_shape=[
            jax.ShapeDtypeStruct((n_pad, dh), jnp.float32),
            jax.ShapeDtypeStruct((n_pad, 1), jnp.float32),
        ],
    )(x_pad, W1, deg0, deg1)


def _tc_layer2(a0, a1, z1, dis, b1, Wcat, block_n):
    n_pad, dh = z1.shape
    dl = Wcat.shape[1]

    def body(a0_ref, a1_ref, z_ref, dis_ref, b_ref, w_ref, z2_ref):
        dis = dis_ref[...]
        h = (a0_ref[...] + a1_ref[...] + z_ref[...]) * dis + b_ref[...]
        h = jnp.maximum(h, 0.0)
        y2 = jnp.dot(h, w_ref[...], preferred_element_type=jnp.float32)
        z2_ref[...] = y2 * dis

    return pl.pallas_call(
        body,
        grid=(n_pad // block_n,),
        in_specs=[
            pl.BlockSpec((block_n, dh), lambda i: (i, 0)),
            pl.BlockSpec((block_n, dh), lambda i: (i, 0)),
            pl.BlockSpec((block_n, dh), lambda i: (i, 0)),
            pl.BlockSpec((block_n, 1), lambda i: (i, 0)),
            pl.BlockSpec((1, dh), lambda i: (0, 0)),
            pl.BlockSpec((dh, dl), lambda i: (0, 0)),
        ],
        out_specs=pl.BlockSpec((block_n, dl), lambda i: (i, 0)),
        out_shape=jax.ShapeDtypeStruct((n_pad, dl), jnp.float32),
    )(a0, a1, z1, dis, b1, Wcat)


def _tc_final(a0, a1, z2, dis, bcat, block_n):
    n_pad, dl = z2.shape

    def body(a0_ref, a1_ref, z_ref, dis_ref, b_ref, o_ref):
        o = (a0_ref[...] + a1_ref[...] + z_ref[...]) * dis_ref[...]
        o_ref[...] = o + b_ref[...]

    return pl.pallas_call(
        body,
        grid=(n_pad // block_n,),
        in_specs=[
            pl.BlockSpec((block_n, dl), lambda i: (i, 0)),
            pl.BlockSpec((block_n, dl), lambda i: (i, 0)),
            pl.BlockSpec((block_n, dl), lambda i: (i, 0)),
            pl.BlockSpec((block_n, 1), lambda i: (i, 0)),
            pl.BlockSpec((1, dl), lambda i: (0, 0)),
        ],
        out_specs=pl.BlockSpec((block_n, dl), lambda i: (i, 0)),
        out_shape=jax.ShapeDtypeStruct((n_pad, dl), jnp.float32),
    )(a0, a1, z2, dis, bcat)


def kernel(x, edge_index, W1, b1, W_mu, b_mu, W_logstd, b_logstd):
    n, din = x.shape
    e = edge_index.shape[1]
    dh = W1.shape[1]
    d_mu = W_mu.shape[1]
    dl = 128

    block_n = 1024
    n_pad = _pad_to(n + 1, block_n)
    e_pad = _pad_to(e, _NW * _CH)
    k_chunks = e_pad // (_NW * _CH)

    src = edge_index[0].astype(jnp.int32)
    dst = edge_index[1].astype(jnp.int32)
    pad_idx = jnp.full((e_pad - e,), n, jnp.int32)
    src_b = jnp.concatenate([src, pad_idx]).reshape(_NW, k_chunks, _CH)
    dst_b = jnp.concatenate([dst, pad_idx]).reshape(_NW, k_chunks, _CH)

    x_pad = jnp.zeros((n_pad, din), jnp.float32).at[:n].set(x)
    zeros1 = jnp.zeros((n_pad,), jnp.float32)
    zeros_h = jnp.zeros((n_pad, dh), jnp.float32)
    zeros_l = jnp.zeros((n_pad, dl), jnp.float32)

    Wcat = jnp.zeros((dh, dl), jnp.float32).at[:, : 2 * d_mu].set(
        jnp.concatenate([W_mu, W_logstd], axis=1))
    bcat = jnp.zeros((1, dl), jnp.float32).at[0, : 2 * d_mu].set(
        jnp.concatenate([b_mu, b_logstd]))
    b1r = b1.reshape(1, dh)

    deg = _sc_degree(dst_b, zeros1, n_pad)
    deg3 = deg.reshape(_NC, n_pad, 1)
    z1, dis = _tc_layer1(x_pad, W1, deg3[0], deg3[1], block_n)
    a1 = _sc_spmm(z1, src_b, dst_b, zeros_h)
    z2 = _tc_layer2(a1[0], a1[1], z1, dis, b1r, Wcat, block_n)
    a2 = _sc_spmm(z2, src_b, dst_b, zeros_l)
    out = _tc_final(a2[0], a2[1], z2, dis, bcat, block_n)

    mu = out[:n, :d_mu]
    logstd = out[:n, d_mu: 2 * d_mu]
    return (mu, logstd)

# --- scband reference (transcript-rebuilt; emitter-appended) ---
"""Pipeline reference for scband-graph-encoder-13417477833490 (READ-ONLY COPY).

The authoritative reference and input builder live on the scoring server;
editing this copy changes nothing except your own understanding.
"""

import jax, jax.numpy as jnp
import numpy as np

N = 10000
E = 320000
D_IN = 128
D_HID = 128
D_LAT = 32


def setup_inputs(seed: int = 0) -> dict:
    key = jax.random.key(seed)
    k_x, k_e, k1, k2, k3 = jax.random.split(key, 5)
    x = jax.random.normal(k_x, (N, D_IN), dtype=jnp.float32)
    edge_index = jax.random.randint(k_e, (2, E), 0, N, dtype=jnp.int64)
    # GCNConv weights (glorot-like init)
    W1 = jax.random.normal(k1, (D_IN, D_HID), dtype=jnp.float32) * (1.0 / np.sqrt(D_IN))
    b1 = jnp.zeros((D_HID,), dtype=jnp.float32)
    W_mu = jax.random.normal(k2, (D_HID, D_LAT), dtype=jnp.float32) * (1.0 / np.sqrt(D_HID))
    b_mu = jnp.zeros((D_LAT,), dtype=jnp.float32)
    W_logstd = jax.random.normal(k3, (D_HID, D_LAT), dtype=jnp.float32) * (1.0 / np.sqrt(D_HID))
    b_logstd = jnp.zeros((D_LAT,), dtype=jnp.float32)
    return {"x": x, "edge_index": edge_index, "W1": W1, "b1": b1,
            "W_mu": W_mu, "b_mu": b_mu, "W_logstd": W_logstd, "b_logstd": b_logstd}


def _gcn_conv(x, src, dst, norm, W, b):
    # GCNConv (Kipf & Welling): out = D^{-1/2} (A + I) D^{-1/2} X W + b
    xw = x @ W
    msgs = jnp.take(xw, src, axis=0) * norm[:, None]
    out = jax.ops.segment_sum(msgs, dst, num_segments=x.shape[0])
    return out + b


def reference(x, edge_index, W1, b1, W_mu, b_mu, W_logstd, b_logstd):
    n = x.shape[0]
    # add self-loops (PyG GCNConv default)
    loops = jnp.arange(n, dtype=edge_index.dtype)
    src = jnp.concatenate([edge_index[0], loops])
    dst = jnp.concatenate([edge_index[1], loops])
    # symmetric normalization: deg computed on dst with unit edge weights
    deg = jax.ops.segment_sum(jnp.ones(src.shape[0], dtype=x.dtype), dst, num_segments=n)
    deg_inv_sqrt = jnp.where(deg > 0, 1.0 / jnp.sqrt(deg), 0.0)
    norm = jnp.take(deg_inv_sqrt, src) * jnp.take(deg_inv_sqrt, dst)
    hidden = jax.nn.relu(_gcn_conv(x, src, dst, norm, W1, b1))
    # dropout_rate = 0.0 -> identity
    mu = _gcn_conv(hidden, src, dst, norm, W_mu, b_mu)
    logstd = _gcn_conv(hidden, src, dst, norm, W_logstd, b_logstd)
    return (mu, logstd)

if __name__ == "__main__":
    import jax
    _d = setup_inputs()
    print(jax.jit(kernel)(*tuple(_d.values())))

</pallas_src>

<mosaic_0001>
#map = affine_map<(d0, d1) -> (0, 0)>
#map1 = affine_map<(d0, d1) -> (0, 0, 0)>
module attributes {stable_mosaic.version = 14 : i64} {
  func.func @spmm_kernel(%arg0: i32, %arg1: i32, %arg2: memref<10240x128xf32, #tpu.memory_space<hbm>>, %arg3: memref<32x79x128xi32, #tpu.memory_space<hbm>>, %arg4: memref<32x79x128xi32, #tpu.memory_space<hbm>>, %arg5: memref<10240x128xf32, #tpu.memory_space<hbm>>, %arg6: memref<2x10240x128xf32, #tpu.memory_space<hbm>>, %arg7: memref<79x128xi32, #tpu.memory_space<vmem>>, %arg8: memref<79x128xi32, #tpu.memory_space<vmem>>, %arg9: memref<128x128xf32, #tpu.memory_space<vmem>>, %arg10: memref<10240x128xf32, #tpu.memory_space<vmem_shared>>, %arg11: memref<!tpu.dma_semaphore, #tpu.memory_space<semaphore_mem>>) attributes {dimension_semantics = [#tpu.dimension_semantics<core_parallel>, #tpu.dimension_semantics<subcore_parallel>], iteration_bounds = array<i64: 2, 16>, scalar_prefetch = 0 : i64, scratch_operands = 5 : i64, tpu.core_type = #tpu.core_type<sc_vector_subcore>, window_params = [{transform_indices = #map}, {transform_indices = #map1}, {transform_indices = #map1}, {transform_indices = #map}, {transform_indices = #map1}]} {
    %mul3A = arith.constant 16 : i32
    %mul3A_0 = arith.muli %arg0, %mul3A : i32
    %add3A = arith.addi %mul3A_0, %arg1 : i32
    %mul3A_1 = arith.constant 640 : i32
    %mul3A_2 = arith.muli %arg1, %mul3A_1 : i32
    "tpu.region"() ({
      %run_scoped3A = tpu.sem_alloc : memref<!tpu.dma_semaphore, #tpu.memory_space<semaphore_mem>>
      %dma_start3A = arith.constant 0 : i32
      %dma_start3A_9 = tpu.memref_slice %arg10[%mul3A_2, %dma_start3A] : memref<10240x128xf32, #tpu.memory_space<vmem_shared>> -> memref<640x128xf32, #tpu.memory_space<vmem_shared>>
      %dma_start3A_10 = arith.constant 0 : i32
      %dma_start3A_11 = tpu.memref_slice %arg5[%mul3A_2, %dma_start3A_10] : memref<10240x128xf32, #tpu.memory_space<hbm>> -> memref<640x128xf32, #tpu.memory_space<hbm>>
      tpu.enqueue_dma source(%dma_start3A_11 : memref<640x128xf32, #tpu.memory_space<hbm>>) target(%dma_start3A_9 : memref<640x128xf32, #tpu.memory_space<vmem_shared>>) target_semaphore(%run_scoped3A : memref<!tpu.dma_semaphore, #tpu.memory_space<semaphore_mem>>)
      %dma_wait3A = arith.constant 0 : i32
      %dma_wait3A_12 = tpu.memref_slice %arg10[%mul3A_2, %dma_wait3A] : memref<10240x128xf32, #tpu.memory_space<vmem_shared>> -> memref<640x128xf32, #tpu.memory_space<vmem_shared>>
      %dma_wait3A_13 = arith.constant 0 : i32
      %dma_wait3A_14 = tpu.memref_slice %arg5[%mul3A_2, %dma_wait3A_13] : memref<10240x128xf32, #tpu.memory_space<hbm>> -> memref<640x128xf32, #tpu.memory_space<hbm>>
      tpu.wait_dma2 semaphore(%run_scoped3A : memref<!tpu.dma_semaphore, #tpu.memory_space<semaphore_mem>>) src(%dma_wait3A_14 : memref<640x128xf32, #tpu.memory_space<hbm>>) dst(%dma_wait3A_12 : memref<640x128xf32, #tpu.memory_space<vmem_shared>>)
      tpu.yield
    }) : () -> ()
    "tpu.region"() ({
      %run_scoped3A = tpu.sem_alloc : memref<!tpu.dma_semaphore, #tpu.memory_space<semaphore_mem>>
      %dma_start3A = arith.constant 0 : i32
      %dma_start3A_9 = arith.constant 0 : i32
      %dma_start3A_10 = tpu.memref_slice %arg3[%add3A, %dma_start3A, %dma_start3A_9] : memref<32x79x128xi32, #tpu.memory_space<hbm>> -> memref<1x79x128xi32, #tpu.memory_space<hbm>>
      %dma_start3A_11 = tpu.memref_squeeze %dma_start3A_10 : memref<1x79x128xi32, #tpu.memory_space<hbm>> -> memref<79x128xi32, #tpu.memory_space<hbm>>
      %dma_start3A_12 = arith.constant 0 : i32
      %dma_start3A_13 = arith.constant 0 : i32
      %dma_start3A_14 = tpu.memref_slice %arg3[%add3A, %dma_start3A_12, %dma_start3A_13] : memref<32x79x128xi32, #tpu.memory_space<hbm>> -> memref<1x79x128xi32, #tpu.memory_space<hbm>>
      %dma_start3A_15 = tpu.memref_squeeze %dma_start3A_14 : memref<1x79x128xi32, #tpu.memory_space<hbm>> -> memref<79x128xi32, #tpu.memory_space<hbm>>
      tpu.enqueue_dma source(%dma_start3A_15 : memref<79x128xi32, #tpu.memory_space<hbm>>) target(%arg7 : memref<79x128xi32, #tpu.memory_space<vmem>>) target_semaphore(%run_scoped3A : memref<!tpu.dma_semaphore, #tpu.memory_space<semaphore_mem>>)
      %dma_wait3A = arith.constant 0 : i32
      %dma_wait3A_16 = arith.constant 0 : i32
      %dma_wait3A_17 = tpu.memref_slice %arg3[%add3A, %dma_wait3A, %dma_wait3A_16] : memref<32x79x128xi32, #tpu.memory_space<hbm>> -> memref<1x79x128xi32, #tpu.memory_space<hbm>>
      %dma_wait3A_18 = tpu.memref_squeeze %dma_wait3A_17 : memref<1x79x128xi32, #tpu.memory_space<hbm>> -> memref<79x128xi32, #tpu.memory_space<hbm>>
      %dma_wait3A_19 = arith.constant 0 : i32
      %dma_wait3A_20 = arith.constant 0 : i32
      %dma_wait3A_21 = tpu.memref_slice %arg3[%add3A, %dma_wait3A_19, %dma_wait3A_20] : memref<32x79x128xi32, #tpu.memory_space<hbm>> -> memref<1x79x128xi32, #tpu.memory_space<hbm>>
      %dma_wait3A_22 = tpu.memref_squeeze %dma_wait3A_21 : memref<1x79x128xi32, #tpu.memory_space<hbm>> -> memref<79x128xi32, #tpu.memory_space<hbm>>
      tpu.wait_dma2 semaphore(%run_scoped3A : memref<!tpu.dma_semaphore, #tpu.memory_space<semaphore_mem>>) src(%dma_wait3A_22 : memref<79x128xi32, #tpu.memory_space<hbm>>) dst(%arg7 : memref<79x128xi32, #tpu.memory_space<vmem>>)
      tpu.yield
    }) : () -> ()
    "tpu.region"() ({
      %run_scoped3A = tpu.sem_alloc : memref<!tpu.dma_semaphore, #tpu.memory_space<semaphore_mem>>
      %dma_start3A = arith.constant 0 : i32
      %dma_start3A_9 = arith.constant 0 : i32
      %dma_start3A_10 = tpu.memref_slice %arg4[%add3A, %dma_start3A, %dma_start3A_9] : memref<32x79x128xi32, #tpu.memory_space<hbm>> -> memref<1x79x128xi32, #tpu.memory_space<hbm>>
      %dma_start3A_11 = tpu.memref_squeeze %dma_start3A_10 : memref<1x79x128xi32, #tpu.memory_space<hbm>> -> memref<79x128xi32, #tpu.memory_space<hbm>>
      %dma_start3A_12 = arith.constant 0 : i32
      %dma_start3A_13 = arith.constant 0 : i32
      %dma_start3A_14 = tpu.memref_slice %arg4[%add3A, %dma_start3A_12, %dma_start3A_13] : memref<32x79x128xi32, #tpu.memory_space<hbm>> -> memref<1x79x128xi32, #tpu.memory_space<hbm>>
      %dma_start3A_15 = tpu.memref_squeeze %dma_start3A_14 : memref<1x79x128xi32, #tpu.memory_space<hbm>> -> memref<79x128xi32, #tpu.memory_space<hbm>>
      tpu.enqueue_dma source(%dma_start3A_15 : memref<79x128xi32, #tpu.memory_space<hbm>>) target(%arg8 : memref<79x128xi32, #tpu.memory_space<vmem>>) target_semaphore(%run_scoped3A : memref<!tpu.dma_semaphore, #tpu.memory_space<semaphore_mem>>)
      %dma_wait3A = arith.constant 0 : i32
      %dma_wait3A_16 = arith.constant 0 : i32
      %dma_wait3A_17 = tpu.memref_slice %arg4[%add3A, %dma_wait3A, %dma_wait3A_16] : memref<32x79x128xi32, #tpu.memory_space<hbm>> -> memref<1x79x128xi32, #tpu.memory_space<hbm>>
      %dma_wait3A_18 = tpu.memref_squeeze %dma_wait3A_17 : memref<1x79x128xi32, #tpu.memory_space<hbm>> -> memref<79x128xi32, #tpu.memory_space<hbm>>
      %dma_wait3A_19 = arith.constant 0 : i32
      %dma_wait3A_20 = arith.constant 0 : i32
      %dma_wait3A_21 = tpu.memref_slice %arg4[%add3A, %dma_wait3A_19, %dma_wait3A_20] : memref<32x79x128xi32, #tpu.memory_space<hbm>> -> memref<1x79x128xi32, #tpu.memory_space<hbm>>
      %dma_wait3A_22 = tpu.memref_squeeze %dma_wait3A_21 : memref<1x79x128xi32, #tpu.memory_space<hbm>> -> memref<79x128xi32, #tpu.memory_space<hbm>>
      tpu.wait_dma2 semaphore(%run_scoped3A : memref<!tpu.dma_semaphore, #tpu.memory_space<semaphore_mem>>) src(%dma_wait3A_22 : memref<79x128xi32, #tpu.memory_space<hbm>>) dst(%arg8 : memref<79x128xi32, #tpu.memory_space<vmem>>)
      tpu.yield
    }) : () -> ()
    %barrier3A = arith.constant 0 : index
    tpu.barrier barrier_id(%barrier3A)
    %scan3A = arith.constant 0 : i32
    %scan3A_3 = arith.constant 0 : i32
    %scan3A_4 = arith.constant 79 : i32
    %scan3A_5 = arith.addi %scan3A_3, %scan3A_4 : i32
    %scan3A_6 = arith.constant 1 : i32
    scf.for %scan3A_9 = %scan3A_3 to %scan3A_5 step %scan3A_6  : i32 {
      %dma_start3A = arith.constant 0 : i32
      %dma_start3A_10 = tpu.memref_slice %arg7[%scan3A_9, %dma_start3A] : memref<79x128xi32, #tpu.memory_space<vmem>> -> memref<1x128xi32, #tpu.memory_space<vmem>>
      %dma_start3A_11 = tpu.memref_squeeze %dma_start3A_10 : memref<1x128xi32, #tpu.memory_space<vmem>> -> memref<128xi32, #tpu.memory_space<vmem>>
      %dma_start3A_12 = arith.constant 0 : i32
      %dma_start3A_13 = arith.constant 0 : i32
      %dma_start3A_14 = tpu.memref_slice %arg2[%dma_start3A_12, %dma_start3A_13] : memref<10240x128xf32, #tpu.memory_space<hbm>> -> memref<10240x128xf32, #tpu.memory_space<hbm>>
      tpu.enqueue_indirect_dma source(%dma_start3A_14 : memref<10240x128xf32, #tpu.memory_space<hbm>>) target(%arg9 : memref<128x128xf32, #tpu.memory_space<vmem>>) offsets(%dma_start3A_11 : memref<128xi32, #tpu.memory_space<vmem>>) semaphore(%arg11 : memref<!tpu.dma_semaphore, #tpu.memory_space<semaphore_mem>>)
      %dma_wait3A = arith.constant 0 : i32
      %dma_wait3A_15 = tpu.memref_slice %arg7[%scan3A_9, %dma_wait3A] : memref<79x128xi32, #tpu.memory_space<vmem>> -> memref<1x128xi32, #tpu.memory_space<vmem>>
      %dma_wait3A_16 = tpu.memref_squeeze %dma_wait3A_15 : memref<1x128xi32, #tpu.memory_space<vmem>> -> memref<128xi32, #tpu.memory_space<vmem>>
      %dma_wait3A_17 = arith.constant 0 : i32
      %dma_wait3A_18 = arith.constant 0 : i32
      %dma_wait3A_19 = tpu.memref_slice %arg2[%dma_wait3A_17, %dma_wait3A_18] : memref<10240x128xf32, #tpu.memory_space<hbm>> -> memref<10240x128xf32, #tpu.memory_space<hbm>>
      tpu.wait_indirect_dma semaphore(%arg11 : memref<!tpu.dma_semaphore, #tpu.memory_space<semaphore_mem>>) src(%dma_wait3A_19 : memref<10240x128xf32, #tpu.memory_space<hbm>>) dst(%arg9 : memref<128x128xf32, #tpu.memory_space<vmem>>)
      "tpu.region"() ({
        %run_scoped3A = tpu.sem_alloc : memref<!tpu.dma_semaphore, #tpu.memory_space<semaphore_mem>>
        %dma_start3A_20 = arith.constant 0 : i32
        %dma_start3A_21 = tpu.memref_slice %arg8[%scan3A_9, %dma_start3A_20] : memref<79x128xi32, #tpu.memory_space<vmem>> -> memref<1x128xi32, #tpu.memory_space<vmem>>
        %dma_start3A_22 = tpu.memref_squeeze %dma_start3A_21 : memref<1x128xi32, #tpu.memory_space<vmem>> -> memref<128xi32, #tpu.memory_space<vmem>>
        %dma_start3A_23 = arith.constant 0 : i32
        %dma_start3A_24 = arith.constant 0 : i32
        %dma_start3A_25 = tpu.memref_slice %arg10[%dma_start3A_23, %dma_start3A_24] : memref<10240x128xf32, #tpu.memory_space<vmem_shared>> -> memref<10240x128xf32, #tpu.memory_space<vmem_shared>>
        tpu.enqueue_indirect_dma source(%arg9 : memref<128x128xf32, #tpu.memory_space<vmem>>) target(%dma_start3A_25 : memref<10240x128xf32, #tpu.memory_space<vmem_shared>>) offsets(%dma_start3A_22 : memref<128xi32, #tpu.memory_space<vmem>>) semaphore(%run_scoped3A : memref<!tpu.dma_semaphore, #tpu.memory_space<semaphore_mem>>) {add = true}
        %dma_wait3A_26 = arith.constant 0 : i32
        %dma_wait3A_27 = tpu.memref_slice %arg8[%scan3A_9, %dma_wait3A_26] : memref<79x128xi32, #tpu.memory_space<vmem>> -> memref<1x128xi32, #tpu.memory_space<vmem>>
        %dma_wait3A_28 = tpu.memref_squeeze %dma_wait3A_27 : memref<1x128xi32, #tpu.memory_space<vmem>> -> memref<128xi32, #tpu.memory_space<vmem>>
        %dma_wait3A_29 = arith.constant 0 : i32
        %dma_wait3A_30 = arith.constant 0 : i32
        %dma_wait3A_31 = tpu.memref_slice %arg10[%dma_wait3A_29, %dma_wait3A_30] : memref<10240x128xf32, #tpu.memory_space<vmem_shared>> -> memref<10240x128xf32, #tpu.memory_space<vmem_shared>>
        tpu.wait_indirect_dma semaphore(%run_scoped3A : memref<!tpu.dma_semaphore, #tpu.memory_space<semaphore_mem>>) src(%arg9 : memref<128x128xf32, #tpu.memory_space<vmem>>) dst(%dma_wait3A_31 : memref<10240x128xf32, #tpu.memory_space<vmem_shared>>)
        tpu.yield
      }) : () -> ()
    }
    %scan3A_7 = arith.constant 79 : i32
    %barrier3A_8 = arith.constant 0 : index
    tpu.barrier barrier_id(%barrier3A_8)
    "tpu.region"() ({
      %run_scoped3A = tpu.sem_alloc : memref<!tpu.dma_semaphore, #tpu.memory_space<semaphore_mem>>
      %dma_start3A = arith.constant 0 : i32
      %dma_start3A_9 = tpu.memref_slice %arg6[%arg0, %mul3A_2, %dma_start3A] : memref<2x10240x128xf32, #tpu.memory_space<hbm>> -> memref<1x640x128xf32, #tpu.memory_space<hbm>>
      %dma_start3A_10 = tpu.memref_squeeze %dma_start3A_9 : memref<1x640x128xf32, #tpu.memory_space<hbm>> -> memref<640x128xf32, #tpu.memory_space<hbm>>
      %dma_start3A_11 = arith.constant 0 : i32
      %dma_start3A_12 = tpu.memref_slice %arg10[%mul3A_2, %dma_start3A_11] : memref<10240x128xf32, #tpu.memory_space<vmem_shared>> -> memref<640x128xf32, #tpu.memory_space<vmem_shared>>
      tpu.enqueue_dma source(%dma_start3A_12 : memref<640x128xf32, #tpu.memory_space<vmem_shared>>) target(%dma_start3A_10 : memref<640x128xf32, #tpu.memory_space<hbm>>) target_semaphore(%run_scoped3A : memref<!tpu.dma_semaphore, #tpu.memory_space<semaphore_mem>>)
      %dma_wait3A = arith.constant 0 : i32
      %dma_wait3A_13 = tpu.memref_slice %arg6[%arg0, %mul3A_2, %dma_wait3A] : memref<2x10240x128xf32, #tpu.memory_space<hbm>> -> memref<1x640x128xf32, #tpu.memory_space<hbm>>
      %dma_wait3A_14 = tpu.memref_squeeze %dma_wait3A_13 : memref<1x640x128xf32, #tpu.memory_space<hbm>> -> memref<640x128xf32, #tpu.memory_space<hbm>>
      %dma_wait3A_15 = arith.constant 0 : i32
      %dma_wait3A_16 = tpu.memref_slice %arg10[%mul3A_2, %dma_wait3A_15] : memref<10240x128xf32, #tpu.memory_space<vmem_shared>> -> memref<640x128xf32, #tpu.memory_space<vmem_shared>>
      tpu.wait_dma2 semaphore(%run_scoped3A : memref<!tpu.dma_semaphore, #tpu.memory_space<semaphore_mem>>) src(%dma_wait3A_16 : memref<640x128xf32, #tpu.memory_space<vmem_shared>>) dst(%dma_wait3A_14 : memref<640x128xf32, #tpu.memory_space<hbm>>)
      tpu.yield
    }) : () -> ()
    return
  }
}

#map = affine_map<(d0, d1) -> (0, 0, 0)>
#map1 = affine_map<(d0, d1) -> (0)>
#map2 = affine_map<(d0, d1) -> (0, 0)>
module attributes {stable_mosaic.version = 14 : i64} {
  func.func @deg_kernel(%arg0: i32, %arg1: i32, %arg2: memref<32x79x128xi32, #tpu.memory_space<hbm>>, %arg3: memref<10240xf32, #tpu.memory_space<hbm>>, %arg4: memref<2x10240xf32, #tpu.memory_space<hbm>>, %arg5: memref<79x128xi32, #tpu.memory_space<vmem>>, %arg6: memref<128xf32, #tpu.memory_space<vmem>>, %arg7: memref<10240xf32, #tpu.memory_space<vmem_shared>>) attributes {dimension_semantics = [#tpu.dimension_semantics<core_parallel>, #tpu.dimension_semantics<subcore_parallel>], iteration_bounds = array<i64: 2, 16>, scalar_prefetch = 0 : i64, scratch_operands = 3 : i64, tpu.core_type = #tpu.core_type<sc_vector_subcore>, window_params = [{transform_indices = #map}, {transform_indices = #map1}, {transform_indices = #map2}]} {
    %mul3A = arith.constant 16 : i32
    %mul3A_0 = arith.muli %arg0, %mul3A : i32
    %add3A = arith.addi %mul3A_0, %arg1 : i32
    %mul3A_1 = arith.constant 640 : i32
    %mul3A_2 = arith.muli %arg1, %mul3A_1 : i32
    %broadcast_in_dim3A = arith.constant 1.000000e+00 : f32
    %broadcast_in_dim3A_3 = vector.broadcast %broadcast_in_dim3A : f32 to vector<16xf32>
    %swap3A = arith.constant 0 : index
    %swap3A_4 = tpu.vector_load %arg6[%swap3A] {strides = array<i32>} : memref<128xf32, #tpu.memory_space<vmem>>, vector<16xf32>,
    %swap3A_5 = vector.shape_cast %swap3A_4 : vector<16xf32> to vector<16xf32>
    %swap3A_6 = vector.shape_cast %broadcast_in_dim3A_3 : vector<16xf32> to vector<16xf32>
    tpu.vector_store %arg6[%swap3A], %swap3A_6 {strides = array<i32>} : memref<128xf32, #tpu.memory_space<vmem>>, vector<16xf32>,
    %broadcast_in_dim3A_7 = arith.constant 1.000000e+00 : f32
    %broadcast_in_dim3A_8 = vector.broadcast %broadcast_in_dim3A_7 : f32 to vector<16xf32>
    %swap3A_9 = arith.constant 16 : index
    %swap3A_10 = tpu.vector_load %arg6[%swap3A_9] {strides = array<i32>} : memref<128xf32, #tpu.memory_space<vmem>>, vector<16xf32>,
    %swap3A_11 = vector.shape_cast %swap3A_10 : vector<16xf32> to vector<16xf32>
    %swap3A_12 = vector.shape_cast %broadcast_in_dim3A_8 : vector<16xf32> to vector<16xf32>
    tpu.vector_store %arg6[%swap3A_9], %swap3A_12 {strides = array<i32>} : memref<128xf32, #tpu.memory_space<vmem>>, vector<16xf32>,
    %broadcast_in_dim3A_13 = arith.constant 1.000000e+00 : f32
    %broadcast_in_dim3A_14 = vector.broadcast %broadcast_in_dim3A_13 : f32 to vector<16xf32>
    %swap3A_15 = arith.constant 32 : index
    %swap3A_16 = tpu.vector_load %arg6[%swap3A_15] {strides = array<i32>} : memref<128xf32, #tpu.memory_space<vmem>>, vector<16xf32>,
    %swap3A_17 = vector.shape_cast %swap3A_16 : vector<16xf32> to vector<16xf32>
    %swap3A_18 = vector.shape_cast %broadcast_in_dim3A_14 : vector<16xf32> to vector<16xf32>
    tpu.vector_store %arg6[%swap3A_15], %swap3A_18 {strides = array<i32>} : memref<128xf32, #tpu.memory_space<vmem>>, vector<16xf32>,
    %broadcast_in_dim3A_19 = arith.constant 1.000000e+00 : f32
    %broadcast_in_dim3A_20 = vector.broadcast %broadcast_in_dim3A_19 : f32 to vector<16xf32>
    %swap3A_21 = arith.constant 48 : index
    %swap3A_22 = tpu.vector_load %arg6[%swap3A_21] {strides = array<i32>} : memref<128xf32, #tpu.memory_space<vmem>>, vector<16xf32>,
    %swap3A_23 = vector.shape_cast %swap3A_22 : vector<16xf32> to vector<16xf32>
    %swap3A_24 = vector.shape_cast %broadcast_in_dim3A_20 : vector<16xf32> to vector<16xf32>
    tpu.vector_store %arg6[%swap3A_21], %swap3A_24 {strides = array<i32>} : memref<128xf32, #tpu.memory_space<vmem>>, vector<16xf32>,
    %broadcast_in_dim3A_25 = arith.constant 1.000000e+00 : f32
    %broadcast_in_dim3A_26 = vector.broadcast %broadcast_in_dim3A_25 : f32 to vector<16xf32>
    %swap3A_27 = arith.constant 64 : index
    %swap3A_28 = tpu.vector_load %arg6[%swap3A_27] {strides = array<i32>} : memref<128xf32, #tpu.memory_space<vmem>>, vector<16xf32>,
    %swap3A_29 = vector.shape_cast %swap3A_28 : vector<16xf32> to vector<16xf32>
    %swap3A_30 = vector.shape_cast %broadcast_in_dim3A_26 : vector<16xf32> to vector<16xf32>
    tpu.vector_store %arg6[%swap3A_27], %swap3A_30 {strides = array<i32>} : memref<128xf32, #tpu.memory_space<vmem>>, vector<16xf32>,
    %broadcast_in_dim3A_31 = arith.constant 1.000000e+00 : f32
    %broadcast_in_dim3A_32 = vector.broadcast %broadcast_in_dim3A_31 : f32 to vector<16xf32>
    %swap3A_33 = arith.constant 80 : index
    %swap3A_34 = tpu.vector_load %arg6[%swap3A_33] {strides = array<i32>} : memref<128xf32, #tpu.memory_space<vmem>>, vector<16xf32>,
    %swap3A_35 = vector.shape_cast %swap3A_34 : vector<16xf32> to vector<16xf32>
    %swap3A_36 = vector.shape_cast %broadcast_in_dim3A_32 : vector<16xf32> to vector<16xf32>
    tpu.vector_store %arg6[%swap3A_33], %swap3A_36 {strides = array<i32>} : memref<128xf32, #tpu.memory_space<vmem>>, vector<16xf32>,
    %broadcast_in_dim3A_37 = arith.constant 1.000000e+00 : f32
    %broadcast_in_dim3A_38 = vector.broadcast %broadcast_in_dim3A_37 : f32 to vector<16xf32>
    %swap3A_39 = arith.constant 96 : index
    %swap3A_40 = tpu.vector_load %arg6[%swap3A_39] {strides = array<i32>} : memref<128xf32, #tpu.memory_space<vmem>>, vector<16xf32>,
    %swap3A_41 = vector.shape_cast %swap3A_40 : vector<16xf32> to vector<16xf32>
    %swap3A_42 = vector.shape_cast %broadcast_in_dim3A_38 : vector<16xf32> to vector<16xf32>
    tpu.vector_store %arg6[%swap3A_39], %swap3A_42 {strides = array<i32>} : memref<128xf32, #tpu.memory_space<vmem>>, vector<16xf32>,
    %broadcast_in_dim3A_43 = arith.constant 1.000000e+00 : f32
    %broadcast_in_dim3A_44 = vector.broadcast %broadcast_in_dim3A_43 : f32 to vector<16xf32>
    %swap3A_45 = arith.constant 112 : index
    %swap3A_46 = tpu.vector_load %arg6[%swap3A_45] {strides = array<i32>} : memref<128xf32, #tpu.memory_space<vmem>>, vector<16xf32>,
    %swap3A_47 = vector.shape_cast %swap3A_46 : vector<16xf32> to vector<16xf32>
    %swap3A_48 = vector.shape_cast %broadcast_in_dim3A_44 : vector<16xf32> to vector<16xf32>
    tpu.vector_store %arg6[%swap3A_45], %swap3A_48 {strides = array<i32>} : memref<128xf32, #tpu.memory_space<vmem>>, vector<16xf32>,
    "tpu.region"() ({
      %run_scoped3A = tpu.sem_alloc : memref<!tpu.dma_semaphore, #tpu.memory_space<semaphore_mem>>
      %dma_start3A = tpu.memref_slice %arg7[%mul3A_2] : memref<10240xf32, #tpu.memory_space<vmem_shared>> -> memref<640xf32, #tpu.memory_space<vmem_shared>>
      %dma_start3A_55 = tpu.memref_slice %arg3[%mul3A_2] : memref<10240xf32, #tpu.memory_space<hbm>> -> memref<640xf32, #tpu.memory_space<hbm>>
      tpu.enqueue_dma source(%dma_start3A_55 : memref<640xf32, #tpu.memory_space<hbm>>) target(%dma_start3A : memref<640xf32, #tpu.memory_space<vmem_shared>>) target_semaphore(%run_scoped3A : memref<!tpu.dma_semaphore, #tpu.memory_space<semaphore_mem>>)
      %dma_wait3A = tpu.memref_slice %arg7[%mul3A_2] : memref<10240xf32, #tpu.memory_space<vmem_shared>> -> memref<640xf32, #tpu.memory_space<vmem_shared>>
      %dma_wait3A_56 = tpu.memref_slice %arg3[%mul3A_2] : memref<10240xf32, #tpu.memory_space<hbm>> -> memref<640xf32, #tpu.memory_space<hbm>>
      tpu.wait_dma2 semaphore(%run_scoped3A : memref<!tpu.dma_semaphore, #tpu.memory_space<semaphore_mem>>) src(%dma_wait3A_56 : memref<640xf32, #tpu.memory_space<hbm>>) dst(%dma_wait3A : memref<640xf32, #tpu.memory_space<vmem_shared>>)
      tpu.yield
    }) : () -> ()
    "tpu.region"() ({
      %run_scoped3A = tpu.sem_alloc : memref<!tpu.dma_semaphore, #tpu.memory_space<semaphore_mem>>
      %dma_start3A = arith.constant 0 : i32
      %dma_start3A_55 = arith.constant 0 : i32
      %dma_start3A_56 = tpu.memref_slice %arg2[%add3A, %dma_start3A, %dma_start3A_55] : memref<32x79x128xi32, #tpu.memory_space<hbm>> -> memref<1x79x128xi32, #tpu.memory_space<hbm>>
      %dma_start3A_57 = tpu.memref_squeeze %dma_start3A_56 : memref<1x79x128xi32, #tpu.memory_space<hbm>> -> memref<79x128xi32, #tpu.memory_space<hbm>>
      %dma_start3A_58 = arith.constant 0 : i32
      %dma_start3A_59 = arith.constant 0 : i32
      %dma_start3A_60 = tpu.memref_slice %arg2[%add3A, %dma_start3A_58, %dma_start3A_59] : memref<32x79x128xi32, #tpu.memory_space<hbm>> -> memref<1x79x128xi32, #tpu.memory_space<hbm>>
      %dma_start3A_61 = tpu.memref_squeeze %dma_start3A_60 : memref<1x79x128xi32, #tpu.memory_space<hbm>> -> memref<79x128xi32, #tpu.memory_space<hbm>>
      tpu.enqueue_dma source(%dma_start3A_61 : memref<79x128xi32, #tpu.memory_space<hbm>>) target(%arg5 : memref<79x128xi32, #tpu.memory_space<vmem>>) target_semaphore(%run_scoped3A : memref<!tpu.dma_semaphore, #tpu.memory_space<semaphore_mem>>)
      %dma_wait3A = arith.constant 0 : i32
      %dma_wait3A_62 = arith.constant 0 : i32
      %dma_wait3A_63 = tpu.memref_slice %arg2[%add3A, %dma_wait3A, %dma_wait3A_62] : memref<32x79x128xi32, #tpu.memory_space<hbm>> -> memref<1x79x128xi32, #tpu.memory_space<hbm>>
      %dma_wait3A_64 = tpu.memref_squeeze %dma_wait3A_63 : memref<1x79x128xi32, #tpu.memory_space<hbm>> -> memref<79x128xi32, #tpu.memory_space<hbm>>
      %dma_wait3A_65 = arith.constant 0 : i32
      %dma_wait3A_66 = arith.constant 0 : i32
      %dma_wait3A_67 = tpu.memref_slice %arg2[%add3A, %dma_wait3A_65, %dma_wait3A_66] : memref<32x79x128xi32, #tpu.memory_space<hbm>> -> memref<1x79x128xi32, #tpu.memory_space<hbm>>
      %dma_wait3A_68 = tpu.memref_squeeze %dma_wait3A_67 : memref<1x79x128xi32, #tpu.memory_space<hbm>> -> memref<79x128xi32, #tpu.memory_space<hbm>>
      tpu.wait_dma2 semaphore(%run_scoped3A : memref<!tpu.dma_semaphore, #tpu.memory_space<semaphore_mem>>) src(%dma_wait3A_68 : memref<79x128xi32, #tpu.memory_space<hbm>>) dst(%arg5 : memref<79x128xi32, #tpu.memory_space<vmem>>)
      tpu.yield
    }) : () -> ()
    %barrier3A = arith.constant 0 : index
    tpu.barrier barrier_id(%barrier3A)
    %scan3A = arith.constant 0 : i32
    %scan3A_49 = arith.constant 0 : i32
    %scan3A_50 = arith.constant 79 : i32
    %scan3A_51 = arith.addi %scan3A_49, %scan3A_50 : i32
    %scan3A_52 = arith.constant 1 : i32
    scf.for %scan3A_55 = %scan3A_49 to %scan3A_51 step %scan3A_52  : i32 {
      "tpu.region"() ({
        %run_scoped3A = tpu.sem_alloc : memref<!tpu.dma_semaphore, #tpu.memory_space<semaphore_mem>>
        %dma_start3A = arith.constant 0 : i32
        %dma_start3A_56 = tpu.memref_slice %arg5[%scan3A_55, %dma_start3A] : memref<79x128xi32, #tpu.memory_space<vmem>> -> memref<1x128xi32, #tpu.memory_space<vmem>>
        %dma_start3A_57 = tpu.memref_squeeze %dma_start3A_56 : memref<1x128xi32, #tpu.memory_space<vmem>> -> memref<128xi32, #tpu.memory_space<vmem>>
        %dma_start3A_58 = arith.constant 0 : i32
        %dma_start3A_59 = tpu.memref_slice %arg7[%dma_start3A_58] : memref<10240xf32, #tpu.memory_space<vmem_shared>> -> memref<10240xf32, #tpu.memory_space<vmem_shared>>
        tpu.enqueue_indirect_dma source(%arg6 : memref<128xf32, #tpu.memory_space<vmem>>) target(%dma_start3A_59 : memref<10240xf32, #tpu.memory_space<vmem_shared>>) offsets(%dma_start3A_57 : memref<128xi32, #tpu.memory_space<vmem>>) semaphore(%run_scoped3A : memref<!tpu.dma_semaphore, #tpu.memory_space<semaphore_mem>>) {add = true}
        %dma_wait3A = arith.constant 0 : i32
        %dma_wait3A_60 = tpu.memref_slice %arg5[%scan3A_55, %dma_wait3A] : memref<79x128xi32, #tpu.memory_space<vmem>> -> memref<1x128xi32, #tpu.memory_space<vmem>>
        %dma_wait3A_61 = tpu.memref_squeeze %dma_wait3A_60 : memref<1x128xi32, #tpu.memory_space<vmem>> -> memref<128xi32, #tpu.memory_space<vmem>>
        %dma_wait3A_62 = arith.constant 0 : i32
        %dma_wait3A_63 = tpu.memref_slice %arg7[%dma_wait3A_62] : memref<10240xf32, #tpu.memory_space<vmem_shared>> -> memref<10240xf32, #tpu.memory_space<vmem_shared>>
        tpu.wait_indirect_dma semaphore(%run_scoped3A : memref<!tpu.dma_semaphore, #tpu.memory_space<semaphore_mem>>) src(%arg6 : memref<128xf32, #tpu.memory_space<vmem>>) dst(%dma_wait3A_63 : memref<10240xf32, #tpu.memory_space<vmem_shared>>)
        tpu.yield
      }) : () -> ()
    }
    %scan3A_53 = arith.constant 79 : i32
    %barrier3A_54 = arith.constant 0 : index
    tpu.barrier barrier_id(%barrier3A_54)
    "tpu.region"() ({
      %run_scoped3A = tpu.sem_alloc : memref<!tpu.dma_semaphore, #tpu.memory_space<semaphore_mem>>
      %dma_start3A = tpu.memref_slice %arg4[%arg0, %mul3A_2] : memref<2x10240xf32, #tpu.memory_space<hbm>> -> memref<1x640xf32, #tpu.memory_space<hbm>>
      %dma_start3A_55 = tpu.memref_squeeze %dma_start3A : memref<1x640xf32, #tpu.memory_space<hbm>> -> memref<640xf32, #tpu.memory_space<hbm>>
      %dma_start3A_56 = tpu.memref_slice %arg7[%mul3A_2] : memref<10240xf32, #tpu.memory_space<vmem_shared>> -> memref<640xf32, #tpu.memory_space<vmem_shared>>
      tpu.enqueue_dma source(%dma_start3A_56 : memref<640xf32, #tpu.memory_space<vmem_shared>>) target(%dma_start3A_55 : memref<640xf32, #tpu.memory_space<hbm>>) target_semaphore(%run_scoped3A : memref<!tpu.dma_semaphore, #tpu.memory_space<semaphore_mem>>)
      %dma_wait3A = tpu.memref_slice %arg4[%arg0, %mul3A_2] : memref<2x10240xf32, #tpu.memory_space<hbm>> -> memref<1x640xf32, #tpu.memory_space<hbm>>
      %dma_wait3A_57 = tpu.memref_squeeze %dma_wait3A : memref<1x640xf32, #tpu.memory_space<hbm>> -> memref<640xf32, #tpu.memory_space<hbm>>
      %dma_wait3A_58 = tpu.memref_slice %arg7[%mul3A_2] : memref<10240xf32, #tpu.memory_space<vmem_shared>> -> memref<640xf32, #tpu.memory_space<vmem_shared>>
      tpu.wait_dma2 semaphore(%run_scoped3A : memref<!tpu.dma_semaphore, #tpu.memory_space<semaphore_mem>>) src(%dma_wait3A_58 : memref<640xf32, #tpu.memory_space<vmem_shared>>) dst(%dma_wait3A_57 : memref<640xf32, #tpu.memory_space<hbm>>)
      tpu.yield
    }) : () -> ()
    return
  }
}

#map = affine_map<(d0, d1) -> (0, 0)>
#map1 = affine_map<(d0, d1) -> (0, 0, 0)>
module attributes {stable_mosaic.version = 14 : i64} {
  func.func @spmm_kernel(%arg0: i32, %arg1: i32, %arg2: memref<10240x128xf32, #tpu.memory_space<hbm>>, %arg3: memref<32x79x128xi32, #tpu.memory_space<hbm>>, %arg4: memref<32x79x128xi32, #tpu.memory_space<hbm>>, %arg5: memref<10240x128xf32, #tpu.memory_space<hbm>>, %arg6: memref<2x10240x128xf32, #tpu.memory_space<hbm>>, %arg7: memref<79x128xi32, #tpu.memory_space<vmem>>, %arg8: memref<79x128xi32, #tpu.memory_space<vmem>>, %arg9: memref<128x128xf32, #tpu.memory_space<vmem>>, %arg10: memref<10240x128xf32, #tpu.memory_space<vmem_shared>>, %arg11: memref<!tpu.dma_semaphore, #tpu.memory_space<semaphore_mem>>) attributes {dimension_semantics = [#tpu.dimension_semantics<core_parallel>, #tpu.dimension_semantics<subcore_parallel>], iteration_bounds = array<i64: 2, 16>, scalar_prefetch = 0 : i64, scratch_operands = 5 : i64, tpu.core_type = #tpu.core_type<sc_vector_subcore>, window_params = [{transform_indices = #map}, {transform_indices = #map1}, {transform_indices = #map1}, {transform_indices = #map}, {transform_indices = #map1}]} {
    %mul3A = arith.constant 16 : i32
    %mul3A_0 = arith.muli %arg0, %mul3A : i32
    %add3A = arith.addi %mul3A_0, %arg1 : i32
    %mul3A_1 = arith.constant 640 : i32
    %mul3A_2 = arith.muli %arg1, %mul3A_1 : i32
    "tpu.region"() ({
      %run_scoped3A = tpu.sem_alloc : memref<!tpu.dma_semaphore, #tpu.memory_space<semaphore_mem>>
      %dma_start3A = arith.constant 0 : i32
      %dma_start3A_9 = tpu.memref_slice %arg10[%mul3A_2, %dma_start3A] : memref<10240x128xf32, #tpu.memory_space<vmem_shared>> -> memref<640x128xf32, #tpu.memory_space<vmem_shared>>
      %dma_start3A_10 = arith.constant 0 : i32
      %dma_start3A_11 = tpu.memref_slice %arg5[%mul3A_2, %dma_start3A_10] : memref<10240x128xf32, #tpu.memory_space<hbm>> -> memref<640x128xf32, #tpu.memory_space<hbm>>
      tpu.enqueue_dma source(%dma_start3A_11 : memref<640x128xf32, #tpu.memory_space<hbm>>) target(%dma_start3A_9 : memref<640x128xf32, #tpu.memory_space<vmem_shared>>) target_semaphore(%run_scoped3A : memref<!tpu.dma_semaphore, #tpu.memory_space<semaphore_mem>>)
      %dma_wait3A = arith.constant 0 : i32
      %dma_wait3A_12 = tpu.memref_slice %arg10[%mul3A_2, %dma_wait3A] : memref<10240x128xf32, #tpu.memory_space<vmem_shared>> -> memref<640x128xf32, #tpu.memory_space<vmem_shared>>
      %dma_wait3A_13 = arith.constant 0 : i32
      %dma_wait3A_14 = tpu.memref_slice %arg5[%mul3A_2, %dma_wait3A_13] : memref<10240x128xf32, #tpu.memory_space<hbm>> -> memref<640x128xf32, #tpu.memory_space<hbm>>
      tpu.wait_dma2 semaphore(%run_scoped3A : memref<!tpu.dma_semaphore, #tpu.memory_space<semaphore_mem>>) src(%dma_wait3A_14 : memref<640x128xf32, #tpu.memory_space<hbm>>) dst(%dma_wait3A_12 : memref<640x128xf32, #tpu.memory_space<vmem_shared>>)
      tpu.yield
    }) : () -> ()
    "tpu.region"() ({
      %run_scoped3A = tpu.sem_alloc : memref<!tpu.dma_semaphore, #tpu.memory_space<semaphore_mem>>
      %dma_start3A = arith.constant 0 : i32
      %dma_start3A_9 = arith.constant 0 : i32
      %dma_start3A_10 = tpu.memref_slice %arg3[%add3A, %dma_start3A, %dma_start3A_9] : memref<32x79x128xi32, #tpu.memory_space<hbm>> -> memref<1x79x128xi32, #tpu.memory_space<hbm>>
      %dma_start3A_11 = tpu.memref_squeeze %dma_start3A_10 : memref<1x79x128xi32, #tpu.memory_space<hbm>> -> memref<79x128xi32, #tpu.memory_space<hbm>>
      %dma_start3A_12 = arith.constant 0 : i32
      %dma_start3A_13 = arith.constant 0 : i32
      %dma_start3A_14 = tpu.memref_slice %arg3[%add3A, %dma_start3A_12, %dma_start3A_13] : memref<32x79x128xi32, #tpu.memory_space<hbm>> -> memref<1x79x128xi32, #tpu.memory_space<hbm>>
      %dma_start3A_15 = tpu.memref_squeeze %dma_start3A_14 : memref<1x79x128xi32, #tpu.memory_space<hbm>> -> memref<79x128xi32, #tpu.memory_space<hbm>>
      tpu.enqueue_dma source(%dma_start3A_15 : memref<79x128xi32, #tpu.memory_space<hbm>>) target(%arg7 : memref<79x128xi32, #tpu.memory_space<vmem>>) target_semaphore(%run_scoped3A : memref<!tpu.dma_semaphore, #tpu.memory_space<semaphore_mem>>)
      %dma_wait3A = arith.constant 0 : i32
      %dma_wait3A_16 = arith.constant 0 : i32
      %dma_wait3A_17 = tpu.memref_slice %arg3[%add3A, %dma_wait3A, %dma_wait3A_16] : memref<32x79x128xi32, #tpu.memory_space<hbm>> -> memref<1x79x128xi32, #tpu.memory_space<hbm>>
      %dma_wait3A_18 = tpu.memref_squeeze %dma_wait3A_17 : memref<1x79x128xi32, #tpu.memory_space<hbm>> -> memref<79x128xi32, #tpu.memory_space<hbm>>
      %dma_wait3A_19 = arith.constant 0 : i32
      %dma_wait3A_20 = arith.constant 0 : i32
      %dma_wait3A_21 = tpu.memref_slice %arg3[%add3A, %dma_wait3A_19, %dma_wait3A_20] : memref<32x79x128xi32, #tpu.memory_space<hbm>> -> memref<1x79x128xi32, #tpu.memory_space<hbm>>
      %dma_wait3A_22 = tpu.memref_squeeze %dma_wait3A_21 : memref<1x79x128xi32, #tpu.memory_space<hbm>> -> memref<79x128xi32, #tpu.memory_space<hbm>>
      tpu.wait_dma2 semaphore(%run_scoped3A : memref<!tpu.dma_semaphore, #tpu.memory_space<semaphore_mem>>) src(%dma_wait3A_22 : memref<79x128xi32, #tpu.memory_space<hbm>>) dst(%arg7 : memref<79x128xi32, #tpu.memory_space<vmem>>)
      tpu.yield
    }) : () -> ()
    "tpu.region"() ({
      %run_scoped3A = tpu.sem_alloc : memref<!tpu.dma_semaphore, #tpu.memory_space<semaphore_mem>>
      %dma_start3A = arith.constant 0 : i32
      %dma_start3A_9 = arith.constant 0 : i32
      %dma_start3A_10 = tpu.memref_slice %arg4[%add3A, %dma_start3A, %dma_start3A_9] : memref<32x79x128xi32, #tpu.memory_space<hbm>> -> memref<1x79x128xi32, #tpu.memory_space<hbm>>
      %dma_start3A_11 = tpu.memref_squeeze %dma_start3A_10 : memref<1x79x128xi32, #tpu.memory_space<hbm>> -> memref<79x128xi32, #tpu.memory_space<hbm>>
      %dma_start3A_12 = arith.constant 0 : i32
      %dma_start3A_13 = arith.constant 0 : i32
      %dma_start3A_14 = tpu.memref_slice %arg4[%add3A, %dma_start3A_12, %dma_start3A_13] : memref<32x79x128xi32, #tpu.memory_space<hbm>> -> memref<1x79x128xi32, #tpu.memory_space<hbm>>
      %dma_start3A_15 = tpu.memref_squeeze %dma_start3A_14 : memref<1x79x128xi32, #tpu.memory_space<hbm>> -> memref<79x128xi32, #tpu.memory_space<hbm>>
      tpu.enqueue_dma source(%dma_start3A_15 : memref<79x128xi32, #tpu.memory_space<hbm>>) target(%arg8 : memref<79x128xi32, #tpu.memory_space<vmem>>) target_semaphore(%run_scoped3A : memref<!tpu.dma_semaphore, #tpu.memory_space<semaphore_mem>>)
      %dma_wait3A = arith.constant 0 : i32
      %dma_wait3A_16 = arith.constant 0 : i32
      %dma_wait3A_17 = tpu.memref_slice %arg4[%add3A, %dma_wait3A, %dma_wait3A_16] : memref<32x79x128xi32, #tpu.memory_space<hbm>> -> memref<1x79x128xi32, #tpu.memory_space<hbm>>
      %dma_wait3A_18 = tpu.memref_squeeze %dma_wait3A_17 : memref<1x79x128xi32, #tpu.memory_space<hbm>> -> memref<79x128xi32, #tpu.memory_space<hbm>>
      %dma_wait3A_19 = arith.constant 0 : i32
      %dma_wait3A_20 = arith.constant 0 : i32
      %dma_wait3A_21 = tpu.memref_slice %arg4[%add3A, %dma_wait3A_19, %dma_wait3A_20] : memref<32x79x128xi32, #tpu.memory_space<hbm>> -> memref<1x79x128xi32, #tpu.memory_space<hbm>>
      %dma_wait3A_22 = tpu.memref_squeeze %dma_wait3A_21 : memref<1x79x128xi32, #tpu.memory_space<hbm>> -> memref<79x128xi32, #tpu.memory_space<hbm>>
      tpu.wait_dma2 semaphore(%run_scoped3A : memref<!tpu.dma_semaphore, #tpu.memory_space<semaphore_mem>>) src(%dma_wait3A_22 : memref<79x128xi32, #tpu.memory_space<hbm>>) dst(%arg8 : memref<79x128xi32, #tpu.memory_space<vmem>>)
      tpu.yield
    }) : () -> ()
    %barrier3A = arith.constant 0 : index
    tpu.barrier barrier_id(%barrier3A)
    %scan3A = arith.constant 0 : i32
    %scan3A_3 = arith.constant 0 : i32
    %scan3A_4 = arith.constant 79 : i32
    %scan3A_5 = arith.addi %scan3A_3, %scan3A_4 : i32
    %scan3A_6 = arith.constant 1 : i32
    scf.for %scan3A_9 = %scan3A_3 to %scan3A_5 step %scan3A_6  : i32 {
      %dma_start3A = arith.constant 0 : i32
      %dma_start3A_10 = tpu.memref_slice %arg7[%scan3A_9, %dma_start3A] : memref<79x128xi32, #tpu.memory_space<vmem>> -> memref<1x128xi32, #tpu.memory_space<vmem>>
      %dma_start3A_11 = tpu.memref_squeeze %dma_start3A_10 : memref<1x128xi32, #tpu.memory_space<vmem>> -> memref<128xi32, #tpu.memory_space<vmem>>
      %dma_start3A_12 = arith.constant 0 : i32
      %dma_start3A_13 = arith.constant 0 : i32
      %dma_start3A_14 = tpu.memref_slice %arg2[%dma_start3A_12, %dma_start3A_13] : memref<10240x128xf32, #tpu.memory_space<hbm>> -> memref<10240x128xf32, #tpu.memory_space<hbm>>
      tpu.enqueue_indirect_dma source(%dma_start3A_14 : memref<10240x128xf32, #tpu.memory_space<hbm>>) target(%arg9 : memref<128x128xf32, #tpu.memory_space<vmem>>) offsets(%dma_start3A_11 : memref<128xi32, #tpu.memory_space<vmem>>) semaphore(%arg11 : memref<!tpu.dma_semaphore, #tpu.memory_space<semaphore_mem>>)
      %dma_wait3A = arith.constant 0 : i32
      %dma_wait3A_15 = tpu.memref_slice %arg7[%scan3A_9, %dma_wait3A] : memref<79x128xi32, #tpu.memory_space<vmem>> -> memref<1x128xi32, #tpu.memory_space<vmem>>
      %dma_wait3A_16 = tpu.memref_squeeze %dma_wait3A_15 : memref<1x128xi32, #tpu.memory_space<vmem>> -> memref<128xi32, #tpu.memory_space<vmem>>
      %dma_wait3A_17 = arith.constant 0 : i32
      %dma_wait3A_18 = arith.constant 0 : i32
      %dma_wait3A_19 = tpu.memref_slice %arg2[%dma_wait3A_17, %dma_wait3A_18] : memref<10240x128xf32, #tpu.memory_space<hbm>> -> memref<10240x128xf32, #tpu.memory_space<hbm>>
      tpu.wait_indirect_dma semaphore(%arg11 : memref<!tpu.dma_semaphore, #tpu.memory_space<semaphore_mem>>) src(%dma_wait3A_19 : memref<10240x128xf32, #tpu.memory_space<hbm>>) dst(%arg9 : memref<128x128xf32, #tpu.memory_space<vmem>>)
      "tpu.region"() ({
        %run_scoped3A = tpu.sem_alloc : memref<!tpu.dma_semaphore, #tpu.memory_space<semaphore_mem>>
        %dma_start3A_20 = arith.constant 0 : i32
        %dma_start3A_21 = tpu.memref_slice %arg8[%scan3A_9, %dma_start3A_20] : memref<79x128xi32, #tpu.memory_space<vmem>> -> memref<1x128xi32, #tpu.memory_space<vmem>>
        %dma_start3A_22 = tpu.memref_squeeze %dma_start3A_21 : memref<1x128xi32, #tpu.memory_space<vmem>> -> memref<128xi32, #tpu.memory_space<vmem>>
        %dma_start3A_23 = arith.constant 0 : i32
        %dma_start3A_24 = arith.constant 0 : i32
        %dma_start3A_25 = tpu.memref_slice %arg10[%dma_start3A_23, %dma_start3A_24] : memref<10240x128xf32, #tpu.memory_space<vmem_shared>> -> memref<10240x128xf32, #tpu.memory_space<vmem_shared>>
        tpu.enqueue_indirect_dma source(%arg9 : memref<128x128xf32, #tpu.memory_space<vmem>>) target(%dma_start3A_25 : memref<10240x128xf32, #tpu.memory_space<vmem_shared>>) offsets(%dma_start3A_22 : memref<128xi32, #tpu.memory_space<vmem>>) semaphore(%run_scoped3A : memref<!tpu.dma_semaphore, #tpu.memory_space<semaphore_mem>>) {add = true}
        %dma_wait3A_26 = arith.constant 0 : i32
        %dma_wait3A_27 = tpu.memref_slice %arg8[%scan3A_9, %dma_wait3A_26] : memref<79x128xi32, #tpu.memory_space<vmem>> -> memref<1x128xi32, #tpu.memory_space<vmem>>
        %dma_wait3A_28 = tpu.memref_squeeze %dma_wait3A_27 : memref<1x128xi32, #tpu.memory_space<vmem>> -> memref<128xi32, #tpu.memory_space<vmem>>
        %dma_wait3A_29 = arith.constant 0 : i32
        %dma_wait3A_30 = arith.constant 0 : i32
        %dma_wait3A_31 = tpu.memref_slice %arg10[%dma_wait3A_29, %dma_wait3A_30] : memref<10240x128xf32, #tpu.memory_space<vmem_shared>> -> memref<10240x128xf32, #tpu.memory_space<vmem_shared>>
        tpu.wait_indirect_dma semaphore(%run_scoped3A : memref<!tpu.dma_semaphore, #tpu.memory_space<semaphore_mem>>) src(%arg9 : memref<128x128xf32, #tpu.memory_space<vmem>>) dst(%dma_wait3A_31 : memref<10240x128xf32, #tpu.memory_space<vmem_shared>>)
        tpu.yield
      }) : () -> ()
    }
    %scan3A_7 = arith.constant 79 : i32
    %barrier3A_8 = arith.constant 0 : index
    tpu.barrier barrier_id(%barrier3A_8)
    "tpu.region"() ({
      %run_scoped3A = tpu.sem_alloc : memref<!tpu.dma_semaphore, #tpu.memory_space<semaphore_mem>>
      %dma_start3A = arith.constant 0 : i32
      %dma_start3A_9 = tpu.memref_slice %arg6[%arg0, %mul3A_2, %dma_start3A] : memref<2x10240x128xf32, #tpu.memory_space<hbm>> -> memref<1x640x128xf32, #tpu.memory_space<hbm>>
      %dma_start3A_10 = tpu.memref_squeeze %dma_start3A_9 : memref<1x640x128xf32, #tpu.memory_space<hbm>> -> memref<640x128xf32, #tpu.memory_space<hbm>>
      %dma_start3A_11 = arith.constant 0 : i32
      %dma_start3A_12 = tpu.memref_slice %arg10[%mul3A_2, %dma_start3A_11] : memref<10240x128xf32, #tpu.memory_space<vmem_shared>> -> memref<640x128xf32, #tpu.memory_space<vmem_shared>>
      tpu.enqueue_dma source(%dma_start3A_12 : memref<640x128xf32, #tpu.memory_space<vmem_shared>>) target(%dma_start3A_10 : memref<640x128xf32, #tpu.memory_space<hbm>>) target_semaphore(%run_scoped3A : memref<!tpu.dma_semaphore, #tpu.memory_space<semaphore_mem>>)
      %dma_wait3A = arith.constant 0 : i32
      %dma_wait3A_13 = tpu.memref_slice %arg6[%arg0, %mul3A_2, %dma_wait3A] : memref<2x10240x128xf32, #tpu.memory_space<hbm>> -> memref<1x640x128xf32, #tpu.memory_space<hbm>>
      %dma_wait3A_14 = tpu.memref_squeeze %dma_wait3A_13 : memref<1x640x128xf32, #tpu.memory_space<hbm>> -> memref<640x128xf32, #tpu.memory_space<hbm>>
      %dma_wait3A_15 = arith.constant 0 : i32
      %dma_wait3A_16 = tpu.memref_slice %arg10[%mul3A_2, %dma_wait3A_15] : memref<10240x128xf32, #tpu.memory_space<vmem_shared>> -> memref<640x128xf32, #tpu.memory_space<vmem_shared>>
      tpu.wait_dma2 semaphore(%run_scoped3A : memref<!tpu.dma_semaphore, #tpu.memory_space<semaphore_mem>>) src(%dma_wait3A_16 : memref<640x128xf32, #tpu.memory_space<vmem_shared>>) dst(%dma_wait3A_14 : memref<640x128xf32, #tpu.memory_space<hbm>>)
      tpu.yield
    }) : () -> ()
    return
  }
}

module attributes {stable_mosaic.version = 14 : i64} {
  func.func @body(%arg0: i32, %arg1: memref<1024x128xf32, #tpu.memory_space<vmem>>, %arg2: memref<128x128xf32, #tpu.memory_space<vmem>>, %arg3: memref<1024x1xf32, #tpu.memory_space<vmem>>, %arg4: memref<1024x1xf32, #tpu.memory_space<vmem>>, %arg5: memref<1024x128xf32, #tpu.memory_space<vmem>>, %arg6: memref<1024x1xf32, #tpu.memory_space<vmem>>) attributes {dimension_semantics = [#tpu.dimension_semantics<arbitrary>], iteration_bounds = array<i64: 10>, scalar_prefetch = 0 : i64, scratch_operands = 0 : i64, tpu.core_type = #tpu.core_type<tc>, window_params = [{transform_indices = @transform_0, window_bounds = array<i64: 1024, 128>}, {pipeline_mode = #tpu.pipeline_mode<synchronous>, transform_indices = @transform_1, window_bounds = array<i64: 128, 128>}, {transform_indices = @transform_2, window_bounds = array<i64: 1024, 1>}, {transform_indices = @transform_3, window_bounds = array<i64: 1024, 1>}, {transform_indices = @transform_4, window_bounds = array<i64: 1024, 128>}, {transform_indices = @transform_5, window_bounds = array<i64: 1024, 1>}]} {
    %get3A = arith.constant 0 : index
    %get3A_0 = arith.constant 0 : index
    %get3A_1 = vector.load %arg3[%get3A, %get3A_0] : memref<1024x1xf32, #tpu.memory_space<vmem>>, vector<1024x1xf32>
    %get3A_2 = arith.constant 0 : index
    %get3A_3 = arith.constant 0 : index
    %get3A_4 = vector.load %arg4[%get3A_2, %get3A_3] : memref<1024x1xf32, #tpu.memory_space<vmem>>, vector<1024x1xf32>
    %add3A = arith.addf %get3A_1, %get3A_4 : vector<1024x1xf32>
    %add3A_5 = arith.constant 1.000000e+00 : f32
    %add3A_6 = vector.broadcast %add3A_5 : f32 to vector<1024x1xf32>
    %add3A_7 = arith.addf %add3A, %add3A_6 : vector<1024x1xf32>
    %rsqrt3A = math.rsqrt %add3A_7 : vector<1024x1xf32>
    %get3A_8 = arith.constant 0 : index
    %get3A_9 = arith.constant 0 : index
    %get3A_10 = vector.load %arg1[%get3A_8, %get3A_9] : memref<1024x128xf32, #tpu.memory_space<vmem>>, vector<1024x128xf32>
    %get3A_11 = arith.constant 0 : index
    %get3A_12 = arith.constant 0 : index
    %get3A_13 = vector.load %arg2[%get3A_11, %get3A_12] : memref<128x128xf32, #tpu.memory_space<vmem>>, vector<128x128xf32>
    %dot_general3A = arith.constant dense<0.000000e+00> : vector<1024x128xf32>
    %dot_general3A_14 = tpu.matmul %get3A_10, %get3A_13, %dot_general3A {dimension_numbers = #tpu.dot_dimension_numbers<[1], [0], [0], [1], [0, 0, 1, 1], [], []>, transpose_lhs_hint = false} : vector<1024x128xf32>, vector<128x128xf32>, vector<1024x128xf32> -> vector<1024x128xf32>
    %mul3A = vector.broadcast %rsqrt3A : vector<1024x1xf32> to vector<1024x128xf32>
    %mul3A_15 = arith.mulf %dot_general3A_14, %mul3A : vector<1024x128xf32>
    %swap3A = arith.constant 0 : index
    %swap3A_16 = arith.constant 0 : index
    %swap3A_17 = vector.load %arg5[%swap3A, %swap3A_16] : memref<1024x128xf32, #tpu.memory_space<vmem>>, vector<1024x128xf32>
    tpu.vector_store %arg5[%swap3A, %swap3A_16], %mul3A_15 {strides = array<i32>} : memref<1024x128xf32, #tpu.memory_space<vmem>>, vector<1024x128xf32>,
    %swap3A_18 = arith.constant 0 : index
    %swap3A_19 = arith.constant 0 : index
    %swap3A_20 = vector.load %arg6[%swap3A_18, %swap3A_19] : memref<1024x1xf32, #tpu.memory_space<vmem>>, vector<1024x1xf32>
    tpu.vector_store %arg6[%swap3A_18, %swap3A_19], %rsqrt3A {strides = array<i32>} : memref<1024x1xf32, #tpu.memory_space<vmem>>, vector<1024x1xf32>,
    return
  }
  func.func @transform_0(%arg0: i32) -> (i32, i32) {
    %c0_i32 = arith.constant 0 : i32
    %c0_i32_0 = arith.constant 0 : i32
    return %arg0, %c0_i32 : i32, i32
  }
  func.func @transform_1(%arg0: i32) -> (i32, i32) {
    %c0_i32 = arith.constant 0 : i32
    %c0_i32_0 = arith.constant 0 : i32
    %c0_i32_1 = arith.constant 0 : i32
    return %c0_i32, %c0_i32_0 : i32, i32
  }
  func.func @transform_2(%arg0: i32) -> (i32, i32) {
    %c0_i32 = arith.constant 0 : i32
    %c0_i32_0 = arith.constant 0 : i32
    return %arg0, %c0_i32 : i32, i32
  }
  func.func @transform_3(%arg0: i32) -> (i32, i32) {
    %c0_i32 = arith.constant 0 : i32
    %c0_i32_0 = arith.constant 0 : i32
    return %arg0, %c0_i32 : i32, i32
  }
  func.func @transform_4(%arg0: i32) -> (i32, i32) {
    %c0_i32 = arith.constant 0 : i32
    %c0_i32_0 = arith.constant 0 : i32
    return %arg0, %c0_i32 : i32, i32
  }
  func.func @transform_5(%arg0: i32) -> (i32, i32) {
    %c0_i32 = arith.constant 0 : i32
    %c0_i32_0 = arith.constant 0 : i32
    return %arg0, %c0_i32 : i32, i32
  }
}

module attributes {stable_mosaic.version = 14 : i64} {
  func.func @body(%arg0: i32, %arg1: memref<1024x128xf32, #tpu.memory_space<vmem>>, %arg2: memref<1024x128xf32, #tpu.memory_space<vmem>>, %arg3: memref<1024x128xf32, #tpu.memory_space<vmem>>, %arg4: memref<1024x1xf32, #tpu.memory_space<vmem>>, %arg5: memref<1x128xf32, #tpu.memory_space<vmem>>, %arg6: memref<128x128xf32, #tpu.memory_space<vmem>>, %arg7: memref<1024x128xf32, #tpu.memory_space<vmem>>) attributes {dimension_semantics = [#tpu.dimension_semantics<arbitrary>], iteration_bounds = array<i64: 10>, scalar_prefetch = 0 : i64, scratch_operands = 0 : i64, tpu.core_type = #tpu.core_type<tc>, window_params = [{transform_indices = @transform_0, window_bounds = array<i64: 1024, 128>}, {transform_indices = @transform_1, window_bounds = array<i64: 1024, 128>}, {transform_indices = @transform_2, window_bounds = array<i64: 1024, 128>}, {transform_indices = @transform_3, window_bounds = array<i64: 1024, 1>}, {pipeline_mode = #tpu.pipeline_mode<synchronous>, transform_indices = @transform_4, window_bounds = array<i64: 1, 128>}, {pipeline_mode = #tpu.pipeline_mode<synchronous>, transform_indices = @transform_5, window_bounds = array<i64: 128, 128>}, {transform_indices = @transform_6, window_bounds = array<i64: 1024, 128>}]} {
    %get3A = arith.constant 0 : index
    %get3A_0 = arith.constant 0 : index
    %get3A_1 = vector.load %arg4[%get3A, %get3A_0] : memref<1024x1xf32, #tpu.memory_space<vmem>>, vector<1024x1xf32>
    %get3A_2 = arith.constant 0 : index
    %get3A_3 = arith.constant 0 : index
    %get3A_4 = vector.load %arg1[%get3A_2, %get3A_3] : memref<1024x128xf32, #tpu.memory_space<vmem>>, vector<1024x128xf32>
    %get3A_5 = arith.constant 0 : index
    %get3A_6 = arith.constant 0 : index
    %get3A_7 = vector.load %arg2[%get3A_5, %get3A_6] : memref<1024x128xf32, #tpu.memory_space<vmem>>, vector<1024x128xf32>
    %add3A = arith.addf %get3A_4, %get3A_7 : vector<1024x128xf32>
    %get3A_8 = arith.constant 0 : index
    %get3A_9 = arith.constant 0 : index
    %get3A_10 = vector.load %arg3[%get3A_8, %get3A_9] : memref<1024x128xf32, #tpu.memory_space<vmem>>, vector<1024x128xf32>
    %add3A_11 = arith.addf %add3A, %get3A_10 : vector<1024x128xf32>
    %mul3A = vector.broadcast %get3A_1 : vector<1024x1xf32> to vector<1024x128xf32>
    %mul3A_12 = arith.mulf %add3A_11, %mul3A : vector<1024x128xf32>
    %get3A_13 = arith.constant 0 : index
    %get3A_14 = arith.constant 0 : index
    %get3A_15 = vector.load %arg5[%get3A_13, %get3A_14] : memref<1x128xf32, #tpu.memory_space<vmem>>, vector<1x128xf32>
    %add3A_16 = vector.broadcast %get3A_15 : vector<1x128xf32> to vector<1024x128xf32>
    %add3A_17 = arith.addf %mul3A_12, %add3A_16 : vector<1024x128xf32>
    %max3A = arith.constant 0.000000e+00 : f32
    %max3A_18 = vector.broadcast %max3A : f32 to vector<1024x128xf32>
    %max3A_19 = arith.maximumf %add3A_17, %max3A_18 : vector<1024x128xf32>
    %get3A_20 = arith.constant 0 : index
    %get3A_21 = arith.constant 0 : index
    %get3A_22 = vector.load %arg6[%get3A_20, %get3A_21] : memref<128x128xf32, #tpu.memory_space<vmem>>, vector<128x128xf32>
    %dot_general3A = arith.constant dense<0.000000e+00> : vector<1024x128xf32>
    %dot_general3A_23 = tpu.matmul %max3A_19, %get3A_22, %dot_general3A {dimension_numbers = #tpu.dot_dimension_numbers<[1], [0], [0], [1], [0, 0, 1, 1], [], []>, transpose_lhs_hint = false} : vector<1024x128xf32>, vector<128x128xf32>, vector<1024x128xf32> -> vector<1024x128xf32>
    %mul3A_24 = vector.broadcast %get3A_1 : vector<1024x1xf32> to vector<1024x128xf32>
    %mul3A_25 = arith.mulf %dot_general3A_23, %mul3A_24 : vector<1024x128xf32>
    %swap3A = arith.constant 0 : index
    %swap3A_26 = arith.constant 0 : index
    %swap3A_27 = vector.load %arg7[%swap3A, %swap3A_26] : memref<1024x128xf32, #tpu.memory_space<vmem>>, vector<1024x128xf32>
    tpu.vector_store %arg7[%swap3A, %swap3A_26], %mul3A_25 {strides = array<i32>} : memref<1024x128xf32, #tpu.memory_space<vmem>>, vector<1024x128xf32>,
    return
  }
  func.func @transform_0(%arg0: i32) -> (i32, i32) {
    %c0_i32 = arith.constant 0 : i32
    %c0_i32_0 = arith.constant 0 : i32
    return %arg0, %c0_i32 : i32, i32
  }
  func.func @transform_1(%arg0: i32) -> (i32, i32) {
    %c0_i32 = arith.constant 0 : i32
    %c0_i32_0 = arith.constant 0 : i32
    return %arg0, %c0_i32 : i32, i32
  }
  func.func @transform_2(%arg0: i32) -> (i32, i32) {
    %c0_i32 = arith.constant 0 : i32
    %c0_i32_0 = arith.constant 0 : i32
    return %arg0, %c0_i32 : i32, i32
  }
  func.func @transform_3(%arg0: i32) -> (i32, i32) {
    %c0_i32 = arith.constant 0 : i32
    %c0_i32_0 = arith.constant 0 : i32
    return %arg0, %c0_i32 : i32, i32
  }
  func.func @transform_4(%arg0: i32) -> (i32, i32) {
    %c0_i32 = arith.constant 0 : i32
    %c0_i32_0 = arith.constant 0 : i32
    %c0_i32_1 = arith.constant 0 : i32
    return %c0_i32, %c0_i32_0 : i32, i32
  }
  func.func @transform_5(%arg0: i32) -> (i32, i32) {
    %c0_i32 = arith.constant 0 : i32
    %c0_i32_0 = arith.constant 0 : i32
    %c0_i32_1 = arith.constant 0 : i32
    return %c0_i32, %c0_i32_0 : i32, i32
  }
  func.func @transform_6(%arg0: i32) -> (i32, i32) {
    %c0_i32 = arith.constant 0 : i32
    %c0_i32_0 = arith.constant 0 : i32
    return %arg0, %c0_i32 : i32, i32
  }
}

module attributes {stable_mosaic.version = 14 : i64} {
  func.func @body(%arg0: i32, %arg1: memref<1024x128xf32, #tpu.memory_space<vmem>>, %arg2: memref<1024x128xf32, #tpu.memory_space<vmem>>, %arg3: memref<1024x128xf32, #tpu.memory_space<vmem>>, %arg4: memref<1024x1xf32, #tpu.memory_space<vmem>>, %arg5: memref<1x128xf32, #tpu.memory_space<vmem>>, %arg6: memref<1024x128xf32, #tpu.memory_space<vmem>>) attributes {dimension_semantics = [#tpu.dimension_semantics<arbitrary>], iteration_bounds = array<i64: 10>, scalar_prefetch = 0 : i64, scratch_operands = 0 : i64, tpu.core_type = #tpu.core_type<tc>, window_params = [{transform_indices = @transform_0, window_bounds = array<i64: 1024, 128>}, {transform_indices = @transform_1, window_bounds = array<i64: 1024, 128>}, {transform_indices = @transform_2, window_bounds = array<i64: 1024, 128>}, {transform_indices = @transform_3, window_bounds = array<i64: 1024, 1>}, {pipeline_mode = #tpu.pipeline_mode<synchronous>, transform_indices = @transform_4, window_bounds = array<i64: 1, 128>}, {transform_indices = @transform_5, window_bounds = array<i64: 1024, 128>}]} {
    %get3A = arith.constant 0 : index
    %get3A_0 = arith.constant 0 : index
    %get3A_1 = vector.load %arg1[%get3A, %get3A_0] : memref<1024x128xf32, #tpu.memory_space<vmem>>, vector<1024x128xf32>
    %get3A_2 = arith.constant 0 : index
    %get3A_3 = arith.constant 0 : index
    %get3A_4 = vector.load %arg2[%get3A_2, %get3A_3] : memref<1024x128xf32, #tpu.memory_space<vmem>>, vector<1024x128xf32>
    %add3A = arith.addf %get3A_1, %get3A_4 : vector<1024x128xf32>
    %get3A_5 = arith.constant 0 : index
    %get3A_6 = arith.constant 0 : index
    %get3A_7 = vector.load %arg3[%get3A_5, %get3A_6] : memref<1024x128xf32, #tpu.memory_space<vmem>>, vector<1024x128xf32>
    %add3A_8 = arith.addf %add3A, %get3A_7 : vector<1024x128xf32>
    %get3A_9 = arith.constant 0 : index
    %get3A_10 = arith.constant 0 : index
    %get3A_11 = vector.load %arg4[%get3A_9, %get3A_10] : memref<1024x1xf32, #tpu.memory_space<vmem>>, vector<1024x1xf32>
    %mul3A = vector.broadcast %get3A_11 : vector<1024x1xf32> to vector<1024x128xf32>
    %mul3A_12 = arith.mulf %add3A_8, %mul3A : vector<1024x128xf32>
    %get3A_13 = arith.constant 0 : index
    %get3A_14 = arith.constant 0 : index
    %get3A_15 = vector.load %arg5[%get3A_13, %get3A_14] : memref<1x128xf32, #tpu.memory_space<vmem>>, vector<1x128xf32>
    %add3A_16 = vector.broadcast %get3A_15 : vector<1x128xf32> to vector<1024x128xf32>
    %add3A_17 = arith.addf %mul3A_12, %add3A_16 : vector<1024x128xf32>
    %swap3A = arith.constant 0 : index
    %swap3A_18 = arith.constant 0 : index
    %swap3A_19 = vector.load %arg6[%swap3A, %swap3A_18] : memref<1024x128xf32, #tpu.memory_space<vmem>>, vector<1024x128xf32>
    tpu.vector_store %arg6[%swap3A, %swap3A_18], %add3A_17 {strides = array<i32>} : memref<1024x128xf32, #tpu.memory_space<vmem>>, vector<1024x128xf32>,
    return
  }
  func.func @transform_0(%arg0: i32) -> (i32, i32) {
    %c0_i32 = arith.constant 0 : i32
    %c0_i32_0 = arith.constant 0 : i32
    return %arg0, %c0_i32 : i32, i32
  }
  func.func @transform_1(%arg0: i32) -> (i32, i32) {
    %c0_i32 = arith.constant 0 : i32
    %c0_i32_0 = arith.constant 0 : i32
    return %arg0, %c0_i32 : i32, i32
  }
  func.func @transform_2(%arg0: i32) -> (i32, i32) {
    %c0_i32 = arith.constant 0 : i32
    %c0_i32_0 = arith.constant 0 : i32
    return %arg0, %c0_i32 : i32, i32
  }
  func.func @transform_3(%arg0: i32) -> (i32, i32) {
    %c0_i32 = arith.constant 0 : i32
    %c0_i32_0 = arith.constant 0 : i32
    return %arg0, %c0_i32 : i32, i32
  }
  func.func @transform_4(%arg0: i32) -> (i32, i32) {
    %c0_i32 = arith.constant 0 : i32
    %c0_i32_0 = arith.constant 0 : i32
    %c0_i32_1 = arith.constant 0 : i32
    return %c0_i32, %c0_i32_0 : i32, i32
  }
  func.func @transform_5(%arg0: i32) -> (i32, i32) {
    %c0_i32 = arith.constant 0 : i32
    %c0_i32_0 = arith.constant 0 : i32
    return %arg0, %c0_i32 : i32, i32
  }
}

</mosaic_0001>

<sc_bundles>
// kernel: kernel.11.cloned.1.call-start
scs
__scs_entry_jumppad:
0x0: {  	(pc) =	sbr.rel $0x88, $3  }
0x1: {  	(tag) =	ssettag $0x0;
	lr =	simm.s32 $0x1  }
0x2: {  	[smem:$0x3F99] =	sst lr;
	_ =	strace $0xD0000000  }
0x3: {  	_ = 	snop  }
0x4: {  	_ = 	snop  }
0x5: {  	_ = 	snop  }
0x6: {  	_ = 	snop  }
0x7: {  	_ = 	snop  }
__scs_overlays_trampoline_lowered:
0x8: {  	[smem:$0x3FA8] =	sst s0  }
0x9: {  	[smem:$0x3FA9] =	sst s1  }
0xa: {  	[smem:$0x3FAA] =	sst s2  }
0xb: {  	[smem:$0x3FAB] =	sst s3  }
0xc: {  	[smem:$0x3FAC] =	sst s4  }
0xd: {  	[smem:$0x3FAD] =	sst s5  }
0xe: {  	[smem:$0x3FAE] =	sst s6  }
0xf: {  	[smem:$0x3FAF] =	sst s7  }
0x10: {  	[smem:$0x3FB0] =	sst s8  }
0x11: {  	[smem:$0x3FB1] =	sst s9;
	s0 =	simm.s32 @!p0 $0x0  }
0x12: {  	s1 =	sld [smem:$0x3F97];
	s0 =	simm.s32 @p0 $0x1  }
0x13: {  	[smem:$0x3FB2] =	sst s0;
	s0 =	simm.s32 @!p1 $0x0  }
0x14: {  	s2 =	sld [smem:$0x3F96];
	s0 =	simm.s32 @p1 $0x1  }
0x15: {  	[smem:$0x3FB3] =	sst s0;
	s0 =	simm.s32 @!p2 $0x0  }
0x16: {  	s3 =	sld [smem:$0x3FDB];
	s0 =	simm.s32 @p2 $0x1  }
0x17: {  	s4 =	simm.s32 $0x1BF5;
	[smem:$0x3FB5] =	sst s0  }
0x18: {  	s0 =	sld [smem:$0x3F98];
	_ =	swait.ge [sflag:s4], $0x0  }
0x19: {  	s7 =	sld [smem:$0x3F99]  }
0x1a: {  	s8 =	sadd.s32 $0xFFFFE003, lr  }
0x1b: {  	s9 =	sadd.s32 $0xFFFFFEF7, lr;
	s5 =	simm.s32 $0xFFFFFFFF;
	p2 =	slt.u32 s8, $0xFFFFF086  }
0x1c: {  	p1 =	slt.u32 s9, $0xF7A;
	s5 =	simm.s32 @!p2 $0x0  }
0x1d: {  	s5 =	simm.s32 @p1 $0x1;
	p0 =	seq.s32 s7, s2  }
0x1e: {  	s7 =	smul.u32 @!p0 $0xF7A, s2;
	p2 =	seq.s32 @!p0 s5, $0x0  }
0x1f: {  	s9 =	smul.u32 $0xF7A, s1;
	s8 =	simm.s32 @!p0 $0x1BF5;
	p2 =	por !p2, p0  }
0x20: {  	[sflag:s8] =	ssyncset.s32 @!p0 $0xFFFFF086;
	s6 =	sadd.s32 @!p0 s3, s7;
	s7 =	simm.s32 @!p0 $0x108  }
0x21: {  	s3 =	sadd.s32 s3, s9;
	s6 =	sadd.s32 @!p0 $0x88, s6;
	s7 =	simm.s32 @p2 $0x1082  }
0x22: {  	[simem:s7], [sflag:s8] =	dma.local @!p0 [hbm:s6], $0xF7A  }
0x23: {  	s9 =	sor.u32 $0xD0000000, s2;
	s6 =	simm.s32 $0x108;
	_ =	swait.ge @!p0 [sflag:s8], $0x0  }
0x24: {  	s3 =	sadd.s32 $0x88, s3;
	s6 =	simm.s32 @!p1 $0x1082;
	[sflag:s4] =	ssyncset.s32 $0xFFFFF086  }
0x25: {  	[simem:s6], [sflag:s4] =	dma.local [hbm:s3], $0xF7A  }
0x26: {  	[smem:$0x3F99] =	sst s1;
	(tag) =	ssettag s2;
	_ =	strace s9  }
0x27: {  	s1 =	sld [smem:$0x3FA9]  }
0x28: {  	s2 =	sld [smem:$0x3FAA]  }
0x29: {  	s4 =	sld [smem:$0x3FAC]  }
0x2a: {  	p0 =	seq.s32 s5, $0x0;
	s5 =	sld [smem:$0x3FAD]  }
0x2b: {  	s6 =	sld [smem:$0x3FAE]  }
0x2c: {  	s7 =	sld [smem:$0x3FAF]  }
0x2d: {  	s3 =	simm.s32 $0x108;
	s8 =	sld [smem:$0x3FB0]  }
0x2e: {  	s3 =	simm.s32 @!p0 $0x1082;
	s9 =	sld [smem:$0x3FB1]  }
0x2f: {  	lr =	sadd.s32 s0, s3;
	s0 =	sld [smem:$0x3FA8]  }
0x30: {  	s3 =	sld [smem:$0x3FAB]  }
0x31: {  	[smem:$0x3FB4] =	sst s10  }
0x32: {  	s10 =	sld [smem:$0x3FB2];
	_ =	sdelay $0x3  }
0x33: {  	p0 =	seq.s32 s10, $0x1;
	s10 =	sld [smem:$0x3FB4];
	_ =	sdelay $0x3  }
0x34: {  	[smem:$0x3FB4] =	sst s10  }
0x35: {  	s10 =	sld [smem:$0x3FB3];
	_ =	sdelay $0x3  }
0x36: {  	p1 =	seq.s32 s10, $0x1;
	s10 =	sld [smem:$0x3FB4];
	_ =	sdelay $0x3  }
0x37: {  	[smem:$0x3FB4] =	sst s10  }
0x38: {  	s10 =	sld [smem:$0x3FB5]  }
0x39: {  	_ = 	snop;
	(pc) =	sbr.ind lr, $3  }
0x3a: {  	_ = 	snop  }
0x3b: {  	_ = 	snop  }
0x3c: {  	p2 =	seq.s32 s10, $0x1;
	s10 =	sld [smem:$0x3FB4]  }
0x3d: {  	_ =	shalt  }
0x3e: {  	_ =	shalt  }
0x3f: {  	_ =	shalt  }
0x40: {  	_ =	shalt  }
0x41: {  	_ =	shalt  }
0x42: {  	_ =	shalt  }
0x43: {  	_ =	shalt  }
0x44: {  	_ =	shalt  }
0x45: {  	_ =	shalt  }
0x46: {  	_ =	shalt  }
0x47: {  	_ =	shalt  }
0x48: {  	_ =	shalt  }
0x49: {  	_ =	shalt  }
0x4a: {  	_ =	shalt  }
0x4b: {  	_ =	shalt  }
0x4c: {  	_ =	shalt  }
0x4d: {  	_ =	shalt  }
0x4e: {  	_ =	shalt  }
0x4f: {  	_ =	shalt  }
0x50: {  	_ =	shalt  }
0x51: {  	_ =	shalt  }
0x52: {  	_ =	shalt  }
0x53: {  	_ =	shalt  }
0x54: {  	_ =	shalt  }
0x55: {  	_ =	shalt  }
0x56: {  	_ =	shalt  }
0x57: {  	_ =	shalt  }
0x58: {  	_ =	shalt  }
0x59: {  	_ =	shalt  }
0x5a: {  	_ =	shalt  }
0x5b: {  	_ =	shalt  }
0x5c: {  	_ =	shalt  }
0x5d: {  	_ =	shalt  }
0x5e: {  	_ =	shalt  }
0x5f: {  	_ =	shalt  }
0x60: {  	_ =	shalt  }
0x61: {  	_ =	shalt  }
0x62: {  	_ =	shalt  }
0x63: {  	_ =	shalt  }
0x64: {  	_ =	shalt  }
0x65: {  	_ =	shalt  }
0x66: {  	_ =	shalt  }
0x67: {  	_ =	shalt  }
0x68: {  	_ =	shalt  }
0x69: {  	_ =	shalt  }
0x6a: {  	_ =	shalt  }
0x6b: {  	_ =	shalt  }
0x6c: {  	_ =	shalt  }
0x6d: {  	_ =	shalt  }
0x6e: {  	_ =	shalt  }
0x6f: {  	_ =	shalt  }
0x70: {  	_ =	shalt  }
0x71: {  	_ =	shalt  }
0x72: {  	_ =	shalt  }
0x73: {  	_ =	shalt  }
0x74: {  	_ =	shalt  }
0x75: {  	_ =	shalt  }
0x76: {  	_ =	shalt  }
0x77: {  	_ =	shalt  }
0x78: {  	_ =	shalt  }
0x79: {  	_ =	shalt  }
0x7a: {  	_ =	shalt  }
0x7b: {  	_ =	shalt  }
0x7c: {  	_ =	shalt  }
0x7d: {  	_ =	shalt  }
0x7e: {  	_ =	shalt  }
0x7f: {  	_ =	shalt  }
0x80: {  	_ =	shalt  }
0x81: {  	_ =	shalt  }
0x82: {  	_ =	shalt  }
0x83: {  	_ =	shalt  }
0x84: {  	_ =	shalt  }
0x85: {  	_ =	shalt  }
0x86: {  	_ =	shalt  }
0x87: {  	_ =	shalt  }
.Lfunc_end0:
.L_simem_size_0:
called_computation.1_lowered:
.L_overlay_start_0:
0x88: {  	s2 =	sld [smem:$0x3FD9]  }
0x89: {  	s3 =	sld [smem:$0x3FFE];
	_ =	sdelay $0x1  }
0x8a: {  	s1 =	srdreg.scid  }
0x8b: {  	s0 =	sand.u32 $0x1, s1  }
0x8c: {  	s16 =	sshll.u32 s0, $0xA;
	s2 =	sadd.s32 s3, s2  }
0x8d: {  	s2 =	sadd.s32 s2, s16  }
0x8e: {  	[smem:$0x3FC0] =	sst s2  }
0x8f: {  	_ = 	snop  }
0x90: {  	(tm) =	ssettm $0x1  }
0x91: {  	s17 =	sld [smem:$0x3FFB];
	_ =	sdelay $0x3  }
0x92: {  	_ =	strace s17  }
0x93: {  	s2 =	sld [smem:$0x3FFC];
	_ =	sdelay $0x3  }
0x94: {  	_ =	strace s2  }
0x95: {  	s2 =	sld [smem:$0x3FFD];
	_ =	sdelay $0x3  }
0x96: {  	_ =	strace s2  }
0x97: {  	_ =	strace $0x8FFFFFFF  }
0x98: {  	s18 =	sld [smem:$0x3FDB];
	_ =	sdelay $0x1  }
0x99: {  	s19 =	simm.s32 $_scs_section_size  }
0x9a: {  	s4 =	simm.s32 $_size__tile_overlayer_lowered;
	s5 =	simm.s32 $_tile_overlayer_lowered  }
0x9b: {  	s22 =	simm.s32 $0x1BFF;
	s21 =	sshll.u32 s5, $0x1;
	s2 =	sadd.s32 s19, s18  }
0x9c: {  	s6 =	simm.s32 $0x0;
	s20 =	sshll.u32 s4, $0x1;
	s4 =	sadd.s32 s21, s2  }
0x9d: {  	[timem:s6], [sflag:s22] =	dma.local [hbm:s4], s20  }
0x9e: {  	_ =	swait.ge [sflag:s22], s20  }
0x9f: {  	s3 =	ssub.s32 $0x0, s20;
	[sflag:s22] =	ssyncset.done $0x0  }
0xa0: {  	[sflag:s22] =	ssyncadd.s32 s3;
	_ =	sdelay $0x1  }
0xa1: {  	s23 =	simm.s32 $0x1B8B  }
0xa2: {  	_ =	swait.ge [sflag:s23], $0x1  }
0xa3: {  	[sflag:s23] =	ssyncset.done $0x0  }
0xa4: {  	s25 =	simm.s32 $0x1B8E;
	s24 =	sld [smem:$0x3FFE];
	[sflag:s23] =	ssyncadd.s32 $0xFFFFFFFF  }
0xa5: {  	s26 =	simm.s32 $execute0_lowered;
	[smem:$0x3FD2] =	sst s25  }
0xa6: {  	s4 =	sshll.u32 s26, $0x1;
	_ =	strace $0x80000049;
	[dreg:$0x1] =	wrdreg $0xFFFFFFFF  }
0xa7: {  	s28 =	simm.s32 $_size_execute0_lowered;
	s2 =	sadd.s32 s2, s4;
	[dreg:$0x0] =	wrdreg $0x0  }
0xa8: {  	s4 =	sshll.u32 s28, $0x1;
	[dreg:$0x2] =	wrdreg s2  }
0xa9: {  	[dreg:$0x3] =	wrdreg s4  }
0xaa: {  	[dreg:$0x4] =	wrdreg $0xC0  }
0xab: {  	_ =	task [dreg:s6], $0x5FFFF  }
0xac: {  	[dreg:$0x1] =	wrdreg $0xFFFFFFFF  }
0xad: {  	[dreg:$0x0] =	wrdreg $0x60  }
0xae: {  	[dreg:$0x2] =	wrdreg s24  }
0xaf: {  	[dreg:$0x3] =	wrdreg $0x90000  }
0xb0: {  	[dreg:$0x4] =	wrdreg $0x9  }
0xb1: {  	_ =	task.clear_ibuf [dreg:s6], $0x5FFFF;
	_ =	strace $0x90000049  }
0xb2: {  	s29 =	simm.s32 $0x9;
	_ =	strace $0x8000004B  }
0xb3: {  	_ =	swait.ge [sflag:s29], $0x1  }
0xb4: {  	[sflag:s29] =	ssyncadd.s32 $0xFFFFFFFF  }
0xb5: {  	_ =	strace $0x9000004B  }
0xb6: {  	_ =	sfence  }
0xb7: {  	s30 =	sld [smem:$0x0];
	_ =	sdelay $0x2  }
0xb8: {  	s31 =	sshll.u32 s1, $0xD;
	s1 =	sshrl.u32 s1, $0x2  }
0xb9: {  	s3 =	sand.u32 $0x4000, s31;
	s1 =	sadd.s32 s1, s30  }
0xba: {  	s0 =	sor.u32 s3, s0;
	s1 =	sshll.u32 s1, $0x11  }
0xbb: {  	s0 =	sor.u32 s1, s0  }
0xbc: {  	s0 =	sadd.s32 $0x8F2B, s0  }
0xbd: {  	[sflag:s0] =	ssyncadd.remote.s32 $0x1  }
0xbe: {  	_ =	sfence.sel $0xFFFF  }
0xbf: {  	[dreg:$0x0] =	wrdreg $0xFFFFFFFF;
	(pc) =	sbr.abs _section_cstart, $3  }
0xc0: {  	[dreg:$0x1] =	wrdreg $0xFFFFFFFF  }
0xc1: {  	_ =	task.clear_ibuf [dreg:s6], $0x2FFFF;
	_ =	strace $0x9FFFFFFF  }
0xc2: {  	(tm) =	ssettm $0x7FFFFFFF  }
0xc3: {  	_ =	shalt  }
tec
execute0_lowered:
.L_overlay_start_1:
0x0: {  	(tag) =	ssettag $0x1  }
0x1: {  	s0 =	srdreg.scid;
	s6 =	rddreg [dreg:$0x0]  }
0x2: {  	s2 =	rddreg [dreg:$0x1];
	s3 =	simm.s32 $0x0;
	s14 =	simm.s32 $0x80  }
0x3: {  	s15 =	simm.s32 $0x5000;
	s5 =	sand.u32 $0x1, s0;
	s0 =	stileid.u32  }
0x4: {  	s16 =	simm.s32 $0x1;
	s17 =	simm.s32 $0x0;
	s8 =	smul.u32 $0x14000, s0  }
0x5: {  	[smem:$0x7FF] =	sst s3;
	s1 =	sshll.u32 s5, $0x4;
	s9 =	smul.u32 $0x140000, s5  }
0x6: {  	s5 =	ssub.s32 $0x2, s5;
	s29 =	smul.u32 $0x50000, s0;
	s31 =	sshll.u32 s0, $0x6  }
0x7: {  	s4 =	sor.u32 s0, s1;
	s1 =	rddreg [dreg:$0x2];
	_ =	strace $0x8000004A  }
0x8: {  	s11 =	sshrl.u32 s5, $0x1;
	s7 =	smul.u32 $0x500, s4;
	s4 =	sadd.s32 $0x17200, s6  }
0x9: {  	s28 =	sshrl.u32 s8, $0x3;
	s8 =	sadd.s32 s8, s9;
	s30 =	sshrl.u32 s29, $0x2  }
0xa: {  	s11 =	ssub.s32 s5, s11;
	s8 =	sshrl.u32 s8, $0x3;
	s13 =	sadd.s32 s30, s2  }
0xb: {  	s10 =	sadd.s32 s7, s6;
	s7 =	sadd.s32 s28, s6;
	s12 =	sadd.s32 s8, s6  }
0xc: {  	s6 =	sor.u32 $0x1C02, s31;
	s5 =	sadd.s32 $0x67200, s7;
	s7 =	sadd.s32 $0xD200, s10  }
0xd: {  	s8 =	sadd.s32 $0x3200, s10;
	s9 =	sadd.s32 $0x8F200, s12;
	s10 =	smax.u32 s11, $0x1  }
0xe: {  	s11 =	sshrl.u32 s13, $0x3;
	s12 =	simm.s32 $0x2;
	s13 =	simm.s32 $0x2800  }
.LBB2_1:
0xf: {  	[spmem:s11], [sflag:s6] =	dma.local [hbm:s5], $0x2800  }
0x10: {  	_ =	swait.ge [sflag:s12], $0x2800  }
0x11: {  	[sflag:s12] =	ssyncset.done $0x0  }
0x12: {  	[sflag:s12] =	ssyncadd.s32 $0xFFFFD800  }
0x13: {  	[tilespmem:s3], [sflag:$0x2] =	stream.linear.gather [hbm4b:s7+s3], $0x2780, $0x38;
	[tilespmem:$0x1D000] =	vst v63  }
0x14: {  	_ =	swait.ge [sflag:s12], $0x2780  }
0x15: {  	[sflag:s12] =	ssyncset.done $0x0  }
0x16: {  	[sflag:s12] =	ssyncadd.s32 $0xFFFFD880  }
0x17: {  	[tilespmem:s13], [sflag:$0x2] =	stream.linear.gather [hbm4b:s8+s3], $0x2780, $0x38;
	[tilespmem:$0x1D000] =	vst v63  }
0x18: {  	_ =	swait.ge [sflag:s12], $0x2780  }
0x19: {  	[sflag:s12] =	ssyncset.done $0x0  }
0x1a: {  	[sflag:s12] =	ssyncadd.s32 $0xFFFFD880  }
0x1b: {  	s18 =	simm.s32 $0x0;
	[bflag:$0x0] =	sbarrier.arrive $0xFFFF  }
0x1c: {  	[tilespmem:s15], [sflag:$0x1] =	stream.indirect.gather [hbm4b:s4+s14], $0x80, s18, s14, $0xb8;
	[tilespmem:$0x1D000] =	vst v63  }
0x1d: {  	_ =	swait.ge [sflag:s16], $0x4000  }
0x1e: {  	[sflag:s16] =	ssyncset.done $0x0  }
0x1f: {  	s31 =	simm.s32 $0x2800;
	[sflag:s16] =	ssyncadd.s32 $0xFFFFC000  }
0x20: {  	[spmem:s2] =	stream.indirect.scatter.add.f32 [tilespmem:s15], [sflag:$0x2], $0x80, s31, s14, $0xb8;
	[tilespmem:$0x1D000] =	vst v63  }
0x21: {  	_ =	swait.ge [sflag:s12], $0x4000  }
0x22: {  	s19 =	simm.s32 $0x400;
	s18 =	simm.s32 $0x200;
	[sflag:s12] =	ssyncset.done $0x0  }
.LBB2_2:
0x23: {  	s20 =	sshra.s32 s18, $0x2  }
0x24: {  	[sflag:s12] =	ssyncadd.s32 $0xFFFFC000;
	s18 =	smov.u32 s19;
	s21 =	sadd.s32 $0x200, s19  }
0x25: {  	[tilespmem:s15], [sflag:$0x1] =	stream.indirect.gather [hbm4b:s4+s14], $0x80, s20, s14, $0xb8;
	[tilespmem:$0x1D000] =	vst v63  }
0x26: {  	p0 =	sne.s32 s19, $0x9C00;
	_ =	swait.ge [sflag:s16], $0x4000  }
.Ltmp0:
0x27: {  	[sflag:s16] =	ssyncset.done $0x0;
	(pc) =	sbr.rel @p0 .LBB2_2-.Ltmp0, $4  }
0x28: {  	s19 =	sadd.s32 $0x2800, s20;
	[sflag:s16] =	ssyncadd.s32 $0xFFFFC000  }
0x29: {  	[spmem:s2] =	stream.indirect.scatter.add.f32 [tilespmem:s15], [sflag:$0x2], $0x80, s19, s14, $0xb8;
	[tilespmem:$0x1D000] =	vst v63  }
0x2a: {  	_ =	swait.ge [sflag:s12], $0x4000  }
0x2b: {  	s19 =	smov.u32 s21;
	[sflag:s12] =	ssyncset.done $0x0  }
0x2c: {  	s18 =	sshra.s32 s18, $0x2;
	[sflag:s12] =	ssyncadd.s32 $0xFFFFC000  }
0x2d: {  	[tilespmem:s15], [sflag:$0x1] =	stream.indirect.gather [hbm4b:s4+s14], $0x80, s18, s14, $0xb8;
	[tilespmem:$0x1D000] =	vst v63  }
0x2e: {  	_ =	swait.ge [sflag:s16], $0x4000  }
0x2f: {  	[sflag:s16] =	ssyncset.done $0x0  }
0x30: {  	s18 =	sadd.s32 $0x2800, s18;
	[sflag:s16] =	ssyncadd.s32 $0xFFFFC000  }
0x31: {  	[spmem:s2] =	stream.indirect.scatter.add.f32 [tilespmem:s15], [sflag:$0x2], $0x80, s18, s14, $0xb8;
	[tilespmem:$0x1D000] =	vst v63  }
0x32: {  	_ =	swait.ge [sflag:s12], $0x4000  }
0x33: {  	s17 =	sadd.s32 $0x1, s17;
	[sflag:s12] =	ssyncset.done $0x0  }
0x34: {  	p0 =	sne.s32 s17, s10;
	[sflag:s12] =	ssyncadd.s32 $0xFFFFC000  }
.Ltmp1:
0x35: {  	[bflag:$0x0] =	sbarrier.arrive $0xFFFF;
	(pc) =	sbr.rel @p0 .LBB2_1-.Ltmp1, $4  }
0x36: {  	[hbm:s9], [sflag:s6] =	dma.local [spmem:s11], $0x2800  }
0x37: {  	_ =	swait.ge [sflag:s12], $0x2800  }
0x38: {  	[sflag:s12] =	ssyncset.done $0x0  }
0x39: {  	[sflag:s12] =	ssyncadd.s32 $0xFFFFD800  }
0x3a: {  	_ =	sfence.sel $0x180000  }
0x3b: {  	[bflag:$0x0] =	sbarrier.arrive $0xFFFF  }
0x3c: {  	p0 =	sne.s32 s0, $0x0;
	_ =	strace $0x9000004A  }
0x3d: {  	s0 =	sadd.s32 @!p0 $0x100000, s1;
	[bflag:$0x2] =	sbarrier.arrive $0xFFFF  }
0x3e: {  	[sflag:s0] =	ssyncadd.tile.s32 @!p0 $0x1;
	_ =	shalt  }
.Lfunc_end2:
_tile_overlayer_lowered:
.L_overlay_start_2:
0x3f: {  	(tag) =	ssettag $0x2  }
0x40: {  	s0 =	rddreg [dreg:$0x0];
	s2 =	stileid.u32  }
0x41: {  	s1 =	rddreg [dreg:$0x1];
	p0 =	sne.s32 s2, $0x0  }
0x42: {  	s3 =	rddreg [dreg:$0x2];
	[bflag:$0x3] =	sbarrier.arrive $0xFFFF;
	s2 =	simm.s32 @!p0 $0x1C02  }
0x43: {  	[timem:s3], [sflag:s2] =	dma.local @!p0 [hbm:s0], s1  }
0x44: {  	s0 =	simm.s32 @!p0 $0x2  }
0x45: {  	_ =	swait.ge @!p0 [sflag:s0], s1  }
0x46: {  	s1 =	ssub.s32 @!p0 $0x0, s1;
	[sflag:s0] =	ssyncset.done @!p0 $0x0  }
0x47: {  	[sflag:s0] =	ssyncadd.s32 @!p0 s1  }
0x48: {  	[bflag:$0x3] =	sbarrier.arrive $0xFFFF  }
0x49: {  	_ =	shalt  }

// kernel: kernel.14.cloned.1.call-start
scs
__scs_entry_jumppad:
0x0: {  	(pc) =	sbr.rel $0x88, $3  }
0x1: {  	(tag) =	ssettag $0x0;
	lr =	simm.s32 $0x1  }
0x2: {  	[smem:$0x3F99] =	sst lr;
	_ =	strace $0xD0000000  }
0x3: {  	_ = 	snop  }
0x4: {  	_ = 	snop  }
0x5: {  	_ = 	snop  }
0x6: {  	_ = 	snop  }
0x7: {  	_ = 	snop  }
__scs_overlays_trampoline_lowered:
0x8: {  	[smem:$0x3FA8] =	sst s0  }
0x9: {  	[smem:$0x3FA9] =	sst s1  }
0xa: {  	[smem:$0x3FAA] =	sst s2  }
0xb: {  	[smem:$0x3FAB] =	sst s3  }
0xc: {  	[smem:$0x3FAC] =	sst s4  }
0xd: {  	[smem:$0x3FAD] =	sst s5  }
0xe: {  	[smem:$0x3FAE] =	sst s6  }
0xf: {  	[smem:$0x3FAF] =	sst s7  }
0x10: {  	[smem:$0x3FB0] =	sst s8  }
0x11: {  	[smem:$0x3FB1] =	sst s9;
	s0 =	simm.s32 @!p0 $0x0  }
0x12: {  	s1 =	sld [smem:$0x3F97];
	s0 =	simm.s32 @p0 $0x1  }
0x13: {  	[smem:$0x3FB2] =	sst s0;
	s0 =	simm.s32 @!p1 $0x0  }
0x14: {  	s2 =	sld [smem:$0x3F96];
	s0 =	simm.s32 @p1 $0x1  }
0x15: {  	[smem:$0x3FB3] =	sst s0;
	s0 =	simm.s32 @!p2 $0x0  }
0x16: {  	s3 =	sld [smem:$0x3FDB];
	s0 =	simm.s32 @p2 $0x1  }
0x17: {  	s4 =	simm.s32 $0x1BF5;
	[smem:$0x3FB5] =	sst s0  }
0x18: {  	s0 =	sld [smem:$0x3F98];
	_ =	swait.ge [sflag:s4], $0x0  }
0x19: {  	s7 =	sld [smem:$0x3F99]  }
0x1a: {  	s8 =	sadd.s32 $0xFFFFE003, lr  }
0x1b: {  	s9 =	sadd.s32 $0xFFFFFEF7, lr;
	s5 =	simm.s32 $0xFFFFFFFF;
	p2 =	slt.u32 s8, $0xFFFFF086  }
0x1c: {  	p1 =	slt.u32 s9, $0xF7A;
	s5 =	simm.s32 @!p2 $0x0  }
0x1d: {  	s5 =	simm.s32 @p1 $0x1;
	p0 =	seq.s32 s7, s2  }
0x1e: {  	s7 =	smul.u32 @!p0 $0xF7A, s2;
	p2 =	seq.s32 @!p0 s5, $0x0  }
0x1f: {  	s9 =	smul.u32 $0xF7A, s1;
	s8 =	simm.s32 @!p0 $0x1BF5;
	p2 =	por !p2, p0  }
0x20: {  	[sflag:s8] =	ssyncset.s32 @!p0 $0xFFFFF086;
	s6 =	sadd.s32 @!p0 s3, s7;
	s7 =	simm.s32 @!p0 $0x108  }
0x21: {  	s3 =	sadd.s32 s3, s9;
	s6 =	sadd.s32 @!p0 $0x88, s6;
	s7 =	simm.s32 @p2 $0x1082  }
0x22: {  	[simem:s7], [sflag:s8] =	dma.local @!p0 [hbm:s6], $0xF7A  }
0x23: {  	s9 =	sor.u32 $0xD0000000, s2;
	s6 =	simm.s32 $0x108;
	_ =	swait.ge @!p0 [sflag:s8], $0x0  }
0x24: {  	s3 =	sadd.s32 $0x88, s3;
	s6 =	simm.s32 @!p1 $0x1082;
	[sflag:s4] =	ssyncset.s32 $0xFFFFF086  }
0x25: {  	[simem:s6], [sflag:s4] =	dma.local [hbm:s3], $0xF7A  }
0x26: {  	[smem:$0x3F99] =	sst s1;
	(tag) =	ssettag s2;
	_ =	strace s9  }
0x27: {  	s1 =	sld [smem:$0x3FA9]  }
0x28: {  	s2 =	sld [smem:$0x3FAA]  }
0x29: {  	s4 =	sld [smem:$0x3FAC]  }
0x2a: {  	p0 =	seq.s32 s5, $0x0;
	s5 =	sld [smem:$0x3FAD]  }
0x2b: {  	s6 =	sld [smem:$0x3FAE]  }
0x2c: {  	s7 =	sld [smem:$0x3FAF]  }
0x2d: {  	s3 =	simm.s32 $0x108;
	s8 =	sld [smem:$0x3FB0]  }
0x2e: {  	s3 =	simm.s32 @!p0 $0x1082;
	s9 =	sld [smem:$0x3FB1]  }
0x2f: {  	lr =	sadd.s32 s0, s3;
	s0 =	sld [smem:$0x3FA8]  }
0x30: {  	s3 =	sld [smem:$0x3FAB]  }
0x31: {  	[smem:$0x3FB4] =	sst s10  }
0x32: {  	s10 =	sld [smem:$0x3FB2];
	_ =	sdelay $0x3  }
0x33: {  	p0 =	seq.s32 s10, $0x1;
	s10 =	sld [smem:$0x3FB4];
	_ =	sdelay $0x3  }
0x34: {  	[smem:$0x3FB4] =	sst s10  }
0x35: {  	s10 =	sld [smem:$0x3FB3];
	_ =	sdelay $0x3  }
0x36: {  	p1 =	seq.s32 s10, $0x1;
	s10 =	sld [smem:$0x3FB4];
	_ =	sdelay $0x3  }
0x37: {  	[smem:$0x3FB4] =	sst s10  }
0x38: {  	s10 =	sld [smem:$0x3FB5]  }
0x39: {  	_ = 	snop;
	(pc) =	sbr.ind lr, $3  }
0x3a: {  	_ = 	snop  }
0x3b: {  	_ = 	snop  }
0x3c: {  	p2 =	seq.s32 s10, $0x1;
	s10 =	sld [smem:$0x3FB4]  }
0x3d: {  	_ =	shalt  }
0x3e: {  	_ =	shalt  }
0x3f: {  	_ =	shalt  }
0x40: {  	_ =	shalt  }
0x41: {  	_ =	shalt  }
0x42: {  	_ =	shalt  }
0x43: {  	_ =	shalt  }
0x44: {  	_ =	shalt  }
0x45: {  	_ =	shalt  }
0x46: {  	_ =	shalt  }
0x47: {  	_ =	shalt  }
0x48: {  	_ =	shalt  }
0x49: {  	_ =	shalt  }
0x4a: {  	_ =	shalt  }
0x4b: {  	_ =	shalt  }
0x4c: {  	_ =	shalt  }
0x4d: {  	_ =	shalt  }
0x4e: {  	_ =	shalt  }
0x4f: {  	_ =	shalt  }
0x50: {  	_ =	shalt  }
0x51: {  	_ =	shalt  }
0x52: {  	_ =	shalt  }
0x53: {  	_ =	shalt  }
0x54: {  	_ =	shalt  }
0x55: {  	_ =	shalt  }
0x56: {  	_ =	shalt  }
0x57: {  	_ =	shalt  }
0x58: {  	_ =	shalt  }
0x59: {  	_ =	shalt  }
0x5a: {  	_ =	shalt  }
0x5b: {  	_ =	shalt  }
0x5c: {  	_ =	shalt  }
0x5d: {  	_ =	shalt  }
0x5e: {  	_ =	shalt  }
0x5f: {  	_ =	shalt  }
0x60: {  	_ =	shalt  }
0x61: {  	_ =	shalt  }
0x62: {  	_ =	shalt  }
0x63: {  	_ =	shalt  }
0x64: {  	_ =	shalt  }
0x65: {  	_ =	shalt  }
0x66: {  	_ =	shalt  }
0x67: {  	_ =	shalt  }
0x68: {  	_ =	shalt  }
0x69: {  	_ =	shalt  }
0x6a: {  	_ =	shalt  }
0x6b: {  	_ =	shalt  }
0x6c: {  	_ =	shalt  }
0x6d: {  	_ =	shalt  }
0x6e: {  	_ =	shalt  }
0x6f: {  	_ =	shalt  }
0x70: {  	_ =	shalt  }
0x71: {  	_ =	shalt  }
0x72: {  	_ =	shalt  }
0x73: {  	_ =	shalt  }
0x74: {  	_ =	shalt  }
0x75: {  	_ =	shalt  }
0x76: {  	_ =	shalt  }
0x77: {  	_ =	shalt  }
0x78: {  	_ =	shalt  }
0x79: {  	_ =	shalt  }
0x7a: {  	_ =	shalt  }
0x7b: {  	_ =	shalt  }
0x7c: {  	_ =	shalt  }
0x7d: {  	_ =	shalt  }
0x7e: {  	_ =	shalt  }
0x7f: {  	_ =	shalt  }
0x80: {  	_ =	shalt  }
0x81: {  	_ =	shalt  }
0x82: {  	_ =	shalt  }
0x83: {  	_ =	shalt  }
0x84: {  	_ =	shalt  }
0x85: {  	_ =	shalt  }
0x86: {  	_ =	shalt  }
0x87: {  	_ =	shalt  }
.Lfunc_end0:
.L_simem_size_0:
called_computation.2_lowered:
.L_overlay_start_0:
0x88: {  	s2 =	sld [smem:$0x3FD9]  }
0x89: {  	s3 =	sld [smem:$0x3FFE];
	_ =	sdelay $0x1  }
0x8a: {  	s1 =	srdreg.scid  }
0x8b: {  	s0 =	sand.u32 $0x1, s1  }
0x8c: {  	s16 =	sshll.u32 s0, $0xA;
	s2 =	sadd.s32 s3, s2  }
0x8d: {  	s2 =	sadd.s32 s2, s16  }
0x8e: {  	[smem:$0x3FC0] =	sst s2  }
0x8f: {  	_ = 	snop  }
0x90: {  	(tm) =	ssettm $0x1  }
0x91: {  	s17 =	sld [smem:$0x3FFB];
	_ =	sdelay $0x3  }
0x92: {  	_ =	strace s17  }
0x93: {  	s2 =	sld [smem:$0x3FFC];
	_ =	sdelay $0x3  }
0x94: {  	_ =	strace s2  }
0x95: {  	s2 =	sld [smem:$0x3FFD];
	_ =	sdelay $0x3  }
0x96: {  	_ =	strace s2  }
0x97: {  	_ =	strace $0x8FFFFFFF  }
0x98: {  	s18 =	sld [smem:$0x3FDB];
	_ =	sdelay $0x1  }
0x99: {  	s19 =	simm.s32 $_scs_section_size  }
0x9a: {  	s4 =	simm.s32 $_size__tile_overlayer_lowered;
	s5 =	simm.s32 $_tile_overlayer_lowered  }
0x9b: {  	s22 =	simm.s32 $0x1BFF;
	s21 =	sshll.u32 s5, $0x1;
	s2 =	sadd.s32 s19, s18  }
0x9c: {  	s6 =	simm.s32 $0x0;
	s20 =	sshll.u32 s4, $0x1;
	s4 =	sadd.s32 s21, s2  }
0x9d: {  	[timem:s6], [sflag:s22] =	dma.local [hbm:s4], s20  }
0x9e: {  	_ =	swait.ge [sflag:s22], s20  }
0x9f: {  	s3 =	ssub.s32 $0x0, s20;
	[sflag:s22] =	ssyncset.done $0x0  }
0xa0: {  	[sflag:s22] =	ssyncadd.s32 s3;
	_ =	sdelay $0x1  }
0xa1: {  	s23 =	simm.s32 $0x1B8B  }
0xa2: {  	_ =	swait.ge [sflag:s23], $0x1  }
0xa3: {  	[sflag:s23] =	ssyncset.done $0x0  }
0xa4: {  	s25 =	simm.s32 $0x1B8E;
	s24 =	sld [smem:$0x3FFE];
	[sflag:s23] =	ssyncadd.s32 $0xFFFFFFFF  }
0xa5: {  	s26 =	simm.s32 $execute0_lowered;
	[smem:$0x3FD2] =	sst s25  }
0xa6: {  	s4 =	sshll.u32 s26, $0x1;
	_ =	strace $0x8000004C;
	[dreg:$0x1] =	wrdreg $0xFFFFFFFF  }
0xa7: {  	s28 =	simm.s32 $_size_execute0_lowered;
	s2 =	sadd.s32 s2, s4;
	[dreg:$0x0] =	wrdreg $0x0  }
0xa8: {  	s4 =	sshll.u32 s28, $0x1;
	[dreg:$0x2] =	wrdreg s2  }
0xa9: {  	[dreg:$0x3] =	wrdreg s4  }
0xaa: {  	[dreg:$0x4] =	wrdreg $0xC0  }
0xab: {  	_ =	task [dreg:s6], $0x5FFFF  }
0xac: {  	[dreg:$0x1] =	wrdreg $0xFFFFFFFF  }
0xad: {  	[dreg:$0x0] =	wrdreg $0x60  }
0xae: {  	[dreg:$0x2] =	wrdreg s24  }
0xaf: {  	[dreg:$0x3] =	wrdreg $0x90000  }
0xb0: {  	[dreg:$0x4] =	wrdreg $0x9  }
0xb1: {  	_ =	task.clear_ibuf [dreg:s6], $0x5FFFF;
	_ =	strace $0x9000004C  }
0xb2: {  	s29 =	simm.s32 $0x9;
	_ =	strace $0x8000004E  }
0xb3: {  	_ =	swait.ge [sflag:s29], $0x1  }
0xb4: {  	[sflag:s29] =	ssyncadd.s32 $0xFFFFFFFF  }
0xb5: {  	_ =	strace $0x9000004E  }
0xb6: {  	_ =	sfence  }
0xb7: {  	s30 =	sld [smem:$0x0];
	_ =	sdelay $0x2  }
0xb8: {  	s31 =	sshll.u32 s1, $0xD;
	s1 =	sshrl.u32 s1, $0x2  }
0xb9: {  	s3 =	sand.u32 $0x4000, s31;
	s1 =	sadd.s32 s1, s30  }
0xba: {  	s0 =	sor.u32 s3, s0;
	s1 =	sshll.u32 s1, $0x11  }
0xbb: {  	s0 =	sor.u32 s1, s0  }
0xbc: {  	s0 =	sadd.s32 $0x8F2B, s0  }
0xbd: {  	[sflag:s0] =	ssyncadd.remote.s32 $0x1  }
0xbe: {  	_ =	sfence.sel $0xFFFF  }
0xbf: {  	[dreg:$0x0] =	wrdreg $0xFFFFFFFF;
	(pc) =	sbr.abs _section_cstart, $3  }
0xc0: {  	[dreg:$0x1] =	wrdreg $0xFFFFFFFF  }
0xc1: {  	_ =	task.clear_ibuf [dreg:s6], $0x2FFFF;
	_ =	strace $0x9FFFFFFF  }
0xc2: {  	(tm) =	ssettm $0x7FFFFFFF  }
0xc3: {  	_ =	shalt  }
tec
execute0_lowered:
.L_overlay_start_1:
0x0: {  	(tag) =	ssettag $0x1  }
0x1: {  	s0 =	srdreg.scid;
	s6 =	rddreg [dreg:$0x0]  }
0x2: {  	s2 =	rddreg [dreg:$0x1];
	s3 =	simm.s32 $0x0;
	s14 =	simm.s32 $0x80  }
0x3: {  	s15 =	simm.s32 $0x5000;
	s5 =	sand.u32 $0x1, s0;
	s0 =	stileid.u32  }
0x4: {  	s16 =	simm.s32 $0x1;
	s17 =	simm.s32 $0x0;
	s8 =	smul.u32 $0x14000, s0  }
0x5: {  	[smem:$0x7FF] =	sst s3;
	s1 =	sshll.u32 s5, $0x4;
	s9 =	smul.u32 $0x140000, s5  }
0x6: {  	s5 =	ssub.s32 $0x2, s5;
	s29 =	smul.u32 $0x50000, s0;
	s31 =	sshll.u32 s0, $0x6  }
0x7: {  	s4 =	sor.u32 s0, s1;
	s1 =	rddreg [dreg:$0x2];
	_ =	strace $0x8000004D  }
0x8: {  	s11 =	sshrl.u32 s5, $0x1;
	s7 =	smul.u32 $0x500, s4;
	s4 =	sadd.s32 $0x17200, s6  }
0x9: {  	s28 =	sshrl.u32 s8, $0x3;
	s8 =	sadd.s32 s8, s9;
	s30 =	sshrl.u32 s29, $0x2  }
0xa: {  	s11 =	ssub.s32 s5, s11;
	s8 =	sshrl.u32 s8, $0x3;
	s13 =	sadd.s32 s30, s2  }
0xb: {  	s10 =	sadd.s32 s7, s6;
	s7 =	sadd.s32 s28, s6;
	s12 =	sadd.s32 s8, s6  }
0xc: {  	s6 =	sor.u32 $0x1C02, s31;
	s5 =	sadd.s32 $0x67200, s7;
	s7 =	sadd.s32 $0xD200, s10  }
0xd: {  	s8 =	sadd.s32 $0x3200, s10;
	s9 =	sadd.s32 $0x8F200, s12;
	s10 =	smax.u32 s11, $0x1  }
0xe: {  	s11 =	sshrl.u32 s13, $0x3;
	s12 =	simm.s32 $0x2;
	s13 =	simm.s32 $0x2800  }
.LBB2_1:
0xf: {  	[spmem:s11], [sflag:s6] =	dma.local [hbm:s5], $0x2800  }
0x10: {  	_ =	swait.ge [sflag:s12], $0x2800  }
0x11: {  	[sflag:s12] =	ssyncset.done $0x0  }
0x12: {  	[sflag:s12] =	ssyncadd.s32 $0xFFFFD800  }
0x13: {  	[tilespmem:s3], [sflag:$0x2] =	stream.linear.gather [hbm4b:s7+s3], $0x2780, $0x38;
	[tilespmem:$0x1D000] =	vst v63  }
0x14: {  	_ =	swait.ge [sflag:s12], $0x2780  }
0x15: {  	[sflag:s12] =	ssyncset.done $0x0  }
0x16: {  	[sflag:s12] =	ssyncadd.s32 $0xFFFFD880  }
0x17: {  	[tilespmem:s13], [sflag:$0x2] =	stream.linear.gather [hbm4b:s8+s3], $0x2780, $0x38;
	[tilespmem:$0x1D000] =	vst v63  }
0x18: {  	_ =	swait.ge [sflag:s12], $0x2780  }
0x19: {  	[sflag:s12] =	ssyncset.done $0x0  }
0x1a: {  	[sflag:s12] =	ssyncadd.s32 $0xFFFFD880  }
0x1b: {  	s18 =	simm.s32 $0x0;
	[bflag:$0x0] =	sbarrier.arrive $0xFFFF  }
0x1c: {  	[tilespmem:s15], [sflag:$0x1] =	stream.indirect.gather [hbm4b:s4+s14], $0x80, s18, s14, $0xb8;
	[tilespmem:$0x1D000] =	vst v63  }
0x1d: {  	_ =	swait.ge [sflag:s16], $0x4000  }
0x1e: {  	[sflag:s16] =	ssyncset.done $0x0  }
0x1f: {  	s31 =	simm.s32 $0x2800;
	[sflag:s16] =	ssyncadd.s32 $0xFFFFC000  }
0x20: {  	[spmem:s2] =	stream.indirect.scatter.add.f32 [tilespmem:s15], [sflag:$0x2], $0x80, s31, s14, $0xb8;
	[tilespmem:$0x1D000] =	vst v63  }
0x21: {  	_ =	swait.ge [sflag:s12], $0x4000  }
0x22: {  	s19 =	simm.s32 $0x400;
	s18 =	simm.s32 $0x200;
	[sflag:s12] =	ssyncset.done $0x0  }
.LBB2_2:
0x23: {  	s20 =	sshra.s32 s18, $0x2  }
0x24: {  	[sflag:s12] =	ssyncadd.s32 $0xFFFFC000;
	s18 =	smov.u32 s19;
	s21 =	sadd.s32 $0x200, s19  }
0x25: {  	[tilespmem:s15], [sflag:$0x1] =	stream.indirect.gather [hbm4b:s4+s14], $0x80, s20, s14, $0xb8;
	[tilespmem:$0x1D000] =	vst v63  }
0x26: {  	p0 =	sne.s32 s19, $0x9C00;
	_ =	swait.ge [sflag:s16], $0x4000  }
.Ltmp0:
0x27: {  	[sflag:s16] =	ssyncset.done $0x0;
	(pc) =	sbr.rel @p0 .LBB2_2-.Ltmp0, $4  }
0x28: {  	s19 =	sadd.s32 $0x2800, s20;
	[sflag:s16] =	ssyncadd.s32 $0xFFFFC000  }
0x29: {  	[spmem:s2] =	stream.indirect.scatter.add.f32 [tilespmem:s15], [sflag:$0x2], $0x80, s19, s14, $0xb8;
	[tilespmem:$0x1D000] =	vst v63  }
0x2a: {  	_ =	swait.ge [sflag:s12], $0x4000  }
0x2b: {  	s19 =	smov.u32 s21;
	[sflag:s12] =	ssyncset.done $0x0  }
0x2c: {  	s18 =	sshra.s32 s18, $0x2;
	[sflag:s12] =	ssyncadd.s32 $0xFFFFC000  }
0x2d: {  	[tilespmem:s15], [sflag:$0x1] =	stream.indirect.gather [hbm4b:s4+s14], $0x80, s18, s14, $0xb8;
	[tilespmem:$0x1D000] =	vst v63  }
0x2e: {  	_ =	swait.ge [sflag:s16], $0x4000  }
0x2f: {  	[sflag:s16] =	ssyncset.done $0x0  }
0x30: {  	s18 =	sadd.s32 $0x2800, s18;
	[sflag:s16] =	ssyncadd.s32 $0xFFFFC000  }
0x31: {  	[spmem:s2] =	stream.indirect.scatter.add.f32 [tilespmem:s15], [sflag:$0x2], $0x80, s18, s14, $0xb8;
	[tilespmem:$0x1D000] =	vst v63  }
0x32: {  	_ =	swait.ge [sflag:s12], $0x4000  }
0x33: {  	s17 =	sadd.s32 $0x1, s17;
	[sflag:s12] =	ssyncset.done $0x0  }
0x34: {  	p0 =	sne.s32 s17, s10;
	[sflag:s12] =	ssyncadd.s32 $0xFFFFC000  }
.Ltmp1:
0x35: {  	[bflag:$0x0] =	sbarrier.arrive $0xFFFF;
	(pc) =	sbr.rel @p0 .LBB2_1-.Ltmp1, $4  }
0x36: {  	[hbm:s9], [sflag:s6] =	dma.local [spmem:s11], $0x2800  }
0x37: {  	_ =	swait.ge [sflag:s12], $0x2800  }
0x38: {  	[sflag:s12] =	ssyncset.done $0x0  }
0x39: {  	[sflag:s12] =	ssyncadd.s32 $0xFFFFD800  }
0x3a: {  	_ =	sfence.sel $0x180000  }
0x3b: {  	[bflag:$0x0] =	sbarrier.arrive $0xFFFF  }
0x3c: {  	p0 =	sne.s32 s0, $0x0;
	_ =	strace $0x9000004D  }
0x3d: {  	s0 =	sadd.s32 @!p0 $0x100000, s1;
	[bflag:$0x2] =	sbarrier.arrive $0xFFFF  }
0x3e: {  	[sflag:s0] =	ssyncadd.tile.s32 @!p0 $0x1;
	_ =	shalt  }
.Lfunc_end2:
_tile_overlayer_lowered:
.L_overlay_start_2:
0x3f: {  	(tag) =	ssettag $0x2  }
0x40: {  	s0 =	rddreg [dreg:$0x0];
	s2 =	stileid.u32  }
0x41: {  	s1 =	rddreg [dreg:$0x1];
	p0 =	sne.s32 s2, $0x0  }
0x42: {  	s3 =	rddreg [dreg:$0x2];
	[bflag:$0x3] =	sbarrier.arrive $0xFFFF;
	s2 =	simm.s32 @!p0 $0x1C02  }
0x43: {  	[timem:s3], [sflag:s2] =	dma.local @!p0 [hbm:s0], s1  }
0x44: {  	s0 =	simm.s32 @!p0 $0x2  }
0x45: {  	_ =	swait.ge @!p0 [sflag:s0], s1  }
0x46: {  	s1 =	ssub.s32 @!p0 $0x0, s1;
	[sflag:s0] =	ssyncset.done @!p0 $0x0  }
0x47: {  	[sflag:s0] =	ssyncadd.s32 @!p0 s1  }
0x48: {  	[bflag:$0x3] =	sbarrier.arrive $0xFFFF  }
0x49: {  	_ =	shalt  }

// kernel: kernel.8.cloned.1.call-start
scs
__scs_entry_jumppad:
0x0: {  	(pc) =	sbr.rel $0x88, $3  }
0x1: {  	(tag) =	ssettag $0x0;
	lr =	simm.s32 $0x1  }
0x2: {  	[smem:$0x3F99] =	sst lr;
	_ =	strace $0xD0000000  }
0x3: {  	_ = 	snop  }
0x4: {  	_ = 	snop  }
0x5: {  	_ = 	snop  }
0x6: {  	_ = 	snop  }
0x7: {  	_ = 	snop  }
__scs_overlays_trampoline_lowered:
0x8: {  	[smem:$0x3FA8] =	sst s0  }
0x9: {  	[smem:$0x3FA9] =	sst s1  }
0xa: {  	[smem:$0x3FAA] =	sst s2  }
0xb: {  	[smem:$0x3FAB] =	sst s3  }
0xc: {  	[smem:$0x3FAC] =	sst s4  }
0xd: {  	[smem:$0x3FAD] =	sst s5  }
0xe: {  	[smem:$0x3FAE] =	sst s6  }
0xf: {  	[smem:$0x3FAF] =	sst s7  }
0x10: {  	[smem:$0x3FB0] =	sst s8  }
0x11: {  	[smem:$0x3FB1] =	sst s9;
	s0 =	simm.s32 @!p0 $0x0  }
0x12: {  	s1 =	sld [smem:$0x3F97];
	s0 =	simm.s32 @p0 $0x1  }
0x13: {  	[smem:$0x3FB2] =	sst s0;
	s0 =	simm.s32 @!p1 $0x0  }
0x14: {  	s2 =	sld [smem:$0x3F96];
	s0 =	simm.s32 @p1 $0x1  }
0x15: {  	[smem:$0x3FB3] =	sst s0;
	s0 =	simm.s32 @!p2 $0x0  }
0x16: {  	s3 =	sld [smem:$0x3FDB];
	s0 =	simm.s32 @p2 $0x1  }
0x17: {  	s4 =	simm.s32 $0x1BF5;
	[smem:$0x3FB5] =	sst s0  }
0x18: {  	s0 =	sld [smem:$0x3F98];
	_ =	swait.ge [sflag:s4], $0x0  }
0x19: {  	s7 =	sld [smem:$0x3F99]  }
0x1a: {  	s8 =	sadd.s32 $0xFFFFE003, lr  }
0x1b: {  	s9 =	sadd.s32 $0xFFFFFEF7, lr;
	s5 =	simm.s32 $0xFFFFFFFF;
	p2 =	slt.u32 s8, $0xFFFFF086  }
0x1c: {  	p1 =	slt.u32 s9, $0xF7A;
	s5 =	simm.s32 @!p2 $0x0  }
0x1d: {  	s5 =	simm.s32 @p1 $0x1;
	p0 =	seq.s32 s7, s2  }
0x1e: {  	s7 =	smul.u32 @!p0 $0xF7A, s2;
	p2 =	seq.s32 @!p0 s5, $0x0  }
0x1f: {  	s9 =	smul.u32 $0xF7A, s1;
	s8 =	simm.s32 @!p0 $0x1BF5;
	p2 =	por !p2, p0  }
0x20: {  	[sflag:s8] =	ssyncset.s32 @!p0 $0xFFFFF086;
	s6 =	sadd.s32 @!p0 s3, s7;
	s7 =	simm.s32 @!p0 $0x108  }
0x21: {  	s3 =	sadd.s32 s3, s9;
	s6 =	sadd.s32 @!p0 $0x88, s6;
	s7 =	simm.s32 @p2 $0x1082  }
0x22: {  	[simem:s7], [sflag:s8] =	dma.local @!p0 [hbm:s6], $0xF7A  }
0x23: {  	s9 =	sor.u32 $0xD0000000, s2;
	s6 =	simm.s32 $0x108;
	_ =	swait.ge @!p0 [sflag:s8], $0x0  }
0x24: {  	s3 =	sadd.s32 $0x88, s3;
	s6 =	simm.s32 @!p1 $0x1082;
	[sflag:s4] =	ssyncset.s32 $0xFFFFF086  }
0x25: {  	[simem:s6], [sflag:s4] =	dma.local [hbm:s3], $0xF7A  }
0x26: {  	[smem:$0x3F99] =	sst s1;
	(tag) =	ssettag s2;
	_ =	strace s9  }
0x27: {  	s1 =	sld [smem:$0x3FA9]  }
0x28: {  	s2 =	sld [smem:$0x3FAA]  }
0x29: {  	s4 =	sld [smem:$0x3FAC]  }
0x2a: {  	p0 =	seq.s32 s5, $0x0;
	s5 =	sld [smem:$0x3FAD]  }
0x2b: {  	s6 =	sld [smem:$0x3FAE]  }
0x2c: {  	s7 =	sld [smem:$0x3FAF]  }
0x2d: {  	s3 =	simm.s32 $0x108;
	s8 =	sld [smem:$0x3FB0]  }
0x2e: {  	s3 =	simm.s32 @!p0 $0x1082;
	s9 =	sld [smem:$0x3FB1]  }
0x2f: {  	lr =	sadd.s32 s0, s3;
	s0 =	sld [smem:$0x3FA8]  }
0x30: {  	s3 =	sld [smem:$0x3FAB]  }
0x31: {  	[smem:$0x3FB4] =	sst s10  }
0x32: {  	s10 =	sld [smem:$0x3FB2];
	_ =	sdelay $0x3  }
0x33: {  	p0 =	seq.s32 s10, $0x1;
	s10 =	sld [smem:$0x3FB4];
	_ =	sdelay $0x3  }
0x34: {  	[smem:$0x3FB4] =	sst s10  }
0x35: {  	s10 =	sld [smem:$0x3FB3];
	_ =	sdelay $0x3  }
0x36: {  	p1 =	seq.s32 s10, $0x1;
	s10 =	sld [smem:$0x3FB4];
	_ =	sdelay $0x3  }
0x37: {  	[smem:$0x3FB4] =	sst s10  }
0x38: {  	s10 =	sld [smem:$0x3FB5]  }
0x39: {  	_ = 	snop;
	(pc) =	sbr.ind lr, $3  }
0x3a: {  	_ = 	snop  }
0x3b: {  	_ = 	snop  }
0x3c: {  	p2 =	seq.s32 s10, $0x1;
	s10 =	sld [smem:$0x3FB4]  }
0x3d: {  	_ =	shalt  }
0x3e: {  	_ =	shalt  }
0x3f: {  	_ =	shalt  }
0x40: {  	_ =	shalt  }
0x41: {  	_ =	shalt  }
0x42: {  	_ =	shalt  }
0x43: {  	_ =	shalt  }
0x44: {  	_ =	shalt  }
0x45: {  	_ =	shalt  }
0x46: {  	_ =	shalt  }
0x47: {  	_ =	shalt  }
0x48: {  	_ =	shalt  }
0x49: {  	_ =	shalt  }
0x4a: {  	_ =	shalt  }
0x4b: {  	_ =	shalt  }
0x4c: {  	_ =	shalt  }
0x4d: {  	_ =	shalt  }
0x4e: {  	_ =	shalt  }
0x4f: {  	_ =	shalt  }
0x50: {  	_ =	shalt  }
0x51: {  	_ =	shalt  }
0x52: {  	_ =	shalt  }
0x53: {  	_ =	shalt  }
0x54: {  	_ =	shalt  }
0x55: {  	_ =	shalt  }
0x56: {  	_ =	shalt  }
0x57: {  	_ =	shalt  }
0x58: {  	_ =	shalt  }
0x59: {  	_ =	shalt  }
0x5a: {  	_ =	shalt  }
0x5b: {  	_ =	shalt  }
0x5c: {  	_ =	shalt  }
0x5d: {  	_ =	shalt  }
0x5e: {  	_ =	shalt  }
0x5f: {  	_ =	shalt  }
0x60: {  	_ =	shalt  }
0x61: {  	_ =	shalt  }
0x62: {  	_ =	shalt  }
0x63: {  	_ =	shalt  }
0x64: {  	_ =	shalt  }
0x65: {  	_ =	shalt  }
0x66: {  	_ =	shalt  }
0x67: {  	_ =	shalt  }
0x68: {  	_ =	shalt  }
0x69: {  	_ =	shalt  }
0x6a: {  	_ =	shalt  }
0x6b: {  	_ =	shalt  }
0x6c: {  	_ =	shalt  }
0x6d: {  	_ =	shalt  }
0x6e: {  	_ =	shalt  }
0x6f: {  	_ =	shalt  }
0x70: {  	_ =	shalt  }
0x71: {  	_ =	shalt  }
0x72: {  	_ =	shalt  }
0x73: {  	_ =	shalt  }
0x74: {  	_ =	shalt  }
0x75: {  	_ =	shalt  }
0x76: {  	_ =	shalt  }
0x77: {  	_ =	shalt  }
0x78: {  	_ =	shalt  }
0x79: {  	_ =	shalt  }
0x7a: {  	_ =	shalt  }
0x7b: {  	_ =	shalt  }
0x7c: {  	_ =	shalt  }
0x7d: {  	_ =	shalt  }
0x7e: {  	_ =	shalt  }
0x7f: {  	_ =	shalt  }
0x80: {  	_ =	shalt  }
0x81: {  	_ =	shalt  }
0x82: {  	_ =	shalt  }
0x83: {  	_ =	shalt  }
0x84: {  	_ =	shalt  }
0x85: {  	_ =	shalt  }
0x86: {  	_ =	shalt  }
0x87: {  	_ =	shalt  }
.Lfunc_end0:
.L_simem_size_0:
called_computation_lowered:
.L_overlay_start_0:
0x88: {  	s2 =	sld [smem:$0x3FD9]  }
0x89: {  	s3 =	sld [smem:$0x3FFE];
	_ =	sdelay $0x1  }
0x8a: {  	s1 =	srdreg.scid  }
0x8b: {  	s0 =	sand.u32 $0x1, s1  }
0x8c: {  	s14 =	sshll.u32 s0, $0xA;
	s2 =	sadd.s32 s3, s2  }
0x8d: {  	s2 =	sadd.s32 s2, s14  }
0x8e: {  	[smem:$0x3FC0] =	sst s2  }
0x8f: {  	_ = 	snop  }
0x90: {  	s2 =	sld [smem:$0x3FD0];
	_ =	sdelay $0x2  }
0x91: {  	s15 =	simm.s32 $0xA;
	s4 =	simm.s32 $0x10  }
0x92: {  	[smem:s4], [sflag:s15] =	dma.local [hbm:s2], $0x1  }
0x93: {  	_ =	swait.eq [sflag:s15], $0x1  }
0x94: {  	[sflag:s15] =	ssyncset.done $0x0  }
0x95: {  	s16 =	sld [smem:$0x10];
	[sflag:s15] =	ssyncadd.s32 $0xFFFFFFFF  }
0x96: {  	s17 =	sld [smem:$0x11];
	(tm) =	ssettm $0x1  }
0x97: {  	s18 =	sld [smem:$0x3FFB];
	_ =	sdelay $0x3  }
0x98: {  	_ =	strace s18  }
0x99: {  	s4 =	sld [smem:$0x3FFC];
	_ =	sdelay $0x3  }
0x9a: {  	_ =	strace s4  }
0x9b: {  	s4 =	sld [smem:$0x3FFD];
	_ =	sdelay $0x3  }
0x9c: {  	_ =	strace s4  }
0x9d: {  	_ =	strace $0x8FFFFFFF  }
0x9e: {  	s19 =	sld [smem:$0x3FDB];
	_ =	sdelay $0x1  }
0x9f: {  	s5 =	simm.s32 $_scs_section_size  }
0xa0: {  	s6 =	simm.s32 $_size__tile_overlayer_lowered;
	s7 =	simm.s32 $_tile_overlayer_lowered  }
0xa1: {  	s22 =	simm.s32 $0x1BFF;
	s21 =	sshll.u32 s7, $0x1;
	s4 =	sadd.s32 s5, s19  }
0xa2: {  	s8 =	simm.s32 $0x0;
	s20 =	sshll.u32 s6, $0x1;
	s6 =	sadd.s32 s21, s4  }
0xa3: {  	[timem:s8], [sflag:s22] =	dma.local [hbm:s6], s20  }
0xa4: {  	_ =	swait.ge [sflag:s22], s20  }
0xa5: {  	s5 =	ssub.s32 $0x0, s20;
	[sflag:s22] =	ssyncset.done $0x0  }
0xa6: {  	[sflag:s22] =	ssyncadd.s32 s5;
	_ =	sdelay $0x1  }
0xa7: {  	s23 =	simm.s32 $0x1B8B  }
0xa8: {  	_ =	swait.ge [sflag:s23], $0x1  }
0xa9: {  	[sflag:s23] =	ssyncset.done $0x0  }
0xaa: {  	s25 =	simm.s32 $0x1B8E;
	s24 =	sld [smem:$0x3FFE];
	[sflag:s23] =	ssyncadd.s32 $0xFFFFFFFF  }
0xab: {  	s26 =	simm.s32 $execute0_lowered;
	[smem:$0x3FD2] =	sst s25  }
0xac: {  	s6 =	sshll.u32 s26, $0x1;
	_ =	strace $0x80000046;
	[dreg:$0x1] =	wrdreg $0xFFFFFFFF  }
0xad: {  	s28 =	simm.s32 $_size_execute0_lowered;
	s4 =	sadd.s32 s4, s6;
	[dreg:$0x0] =	wrdreg $0x0  }
0xae: {  	s6 =	sshll.u32 s28, $0x1;
	[dreg:$0x2] =	wrdreg s4  }
0xaf: {  	[dreg:$0x3] =	wrdreg s6  }
0xb0: {  	[dreg:$0x4] =	wrdreg $0xC0  }
0xb1: {  	_ =	task [dreg:s8], $0x5FFFF  }
0xb2: {  	[dreg:$0x1] =	wrdreg $0xFFFFFFFF  }
0xb3: {  	[dreg:$0x0] =	wrdreg $0x60  }
0xb4: {  	[dreg:$0x2] =	wrdreg s24  }
0xb5: {  	[dreg:$0x3] =	wrdreg s16  }
0xb6: {  	[dreg:$0x4] =	wrdreg s17  }
0xb7: {  	[dreg:$0x5] =	wrdreg $0x28800  }
0xb8: {  	[dreg:$0x6] =	wrdreg $0x9  }
0xb9: {  	_ =	task.clear_ibuf [dreg:s8], $0x7FFFF;
	_ =	strace $0x90000046  }
0xba: {  	s29 =	simm.s32 $0x9;
	_ =	strace $0x80000048  }
0xbb: {  	_ =	swait.ge [sflag:s29], $0x1  }
0xbc: {  	[sflag:s29] =	ssyncadd.s32 $0xFFFFFFFF  }
0xbd: {  	_ =	strace $0x90000048  }
0xbe: {  	_ =	sfence  }
0xbf: {  	s30 =	sld [smem:$0x0];
	_ =	sdelay $0x2  }
0xc0: {  	s31 =	sshll.u32 s1, $0xD;
	s1 =	sshrl.u32 s1, $0x2  }
0xc1: {  	s3 =	sand.u32 $0x4000, s31;
	s1 =	sadd.s32 s1, s30  }
0xc2: {  	s0 =	sor.u32 s3, s0;
	s1 =	sshll.u32 s1, $0x11  }
0xc3: {  	s0 =	sor.u32 s1, s0  }
0xc4: {  	s0 =	sadd.s32 $0x8F2B, s0  }
0xc5: {  	[sflag:s0] =	ssyncadd.remote.s32 $0x1  }
0xc6: {  	_ =	sfence.sel $0xFFFF  }
0xc7: {  	[dreg:$0x0] =	wrdreg $0xFFFFFFFF;
	(pc) =	sbr.abs _section_cstart, $3  }
0xc8: {  	[dreg:$0x1] =	wrdreg $0xFFFFFFFF  }
0xc9: {  	_ =	task.clear_ibuf [dreg:s8], $0x2FFFF;
	_ =	strace $0x9FFFFFFF  }
0xca: {  	(tm) =	ssettm $0x7FFFFFFF  }
0xcb: {  	_ =	shalt  }
tec
execute0_lowered:
.L_overlay_start_1:
0x0: {  	(tag) =	ssettag $0x1  }
0x1: {  	s4 =	rddreg [dreg:$0x0]  }
0x2: {  	s5 =	rddreg [dreg:$0x1]  }
0x3: {  	s7 =	rddreg [dreg:$0x2]  }
0x4: {  	s0 =	srdreg.scid;
	s2 =	rddreg [dreg:$0x3]  }
0x5: {  	s1 =	stileid.u32;
	s3 =	simm.s32 $0x0;
	s13 =	simm.s32 $0x20  }
0x6: {  	s14 =	simm.s32 $0x10;
	s6 =	sand.u32 $0x1, s0;
	s0 =	rddreg [dreg:$0x4]  }
0x7: {  	s15 =	simm.s32 $0x0;
	[smem:$0x7FF] =	sst s3;
	s11 =	smul.u32 $0x280, s1  }
0x8: {  	s28 =	smul.u32 $0x500, s1;
	s30 =	sshll.u32 s1, $0x6;
	s8 =	sshll.u32 s6, $0x4  }
0x9: {  	s9 =	ssub.s32 $0x2, s6;
	_ =	strace $0x80000047;
	s6 =	sshll.u32 s6, $0x7  }
0xa: {  	s8 =	sor.u32 s1, s8;
	s10 =	sshrl.u32 s9, $0x1;
	s12 =	sadd.s32 s11, s2  }
0xb: {  	s8 =	smul.u32 $0x500, s8;
	s9 =	ssub.s32 s9, s10;
	s10 =	sor.u32 s6, s28  }
0xc: {  	s29 =	sshrl.u32 s11, $0x3;
	s11 =	simm.s32 $0x80;
	s31 =	sshrl.u32 s10, $0x3  }
0xd: {  	s10 =	simm.s32 $0x1;
	s8 =	sadd.s32 s8, s4;
	s4 =	sadd.s32 s5, s29  }
0xe: {  	s5 =	sor.u32 $0x1C01, s30;
	s7 =	sadd.s32 s7, s31;
	s6 =	sadd.s32 $0x3200, s8  }
0xf: {  	v0 =	vimm.f32 $1.000000000e+00;
	s8 =	smax.u32 s9, $0x1;
	s9 =	sshrl.u32 s12, $0x3;
	s12 =	simm.s32 $0x2800  }
.LBB2_1:
0x10: {  	[tilespmem:$0x2800] =	vst v0  }
0x11: {  	[tilespmem:$0x2810] =	vst v0  }
0x12: {  	[tilespmem:$0x2820] =	vst v0  }
0x13: {  	[tilespmem:$0x2830] =	vst v0  }
0x14: {  	[tilespmem:$0x2840] =	vst v0  }
0x15: {  	[tilespmem:$0x2850] =	vst v0  }
0x16: {  	[tilespmem:$0x2860] =	vst v0  }
0x17: {  	[tilespmem:$0x2870] =	vst v0  }
0x18: {  	[spmem:s9], [sflag:s5] =	dma.local [hbm:s4], $0x50  }
0x19: {  	_ =	swait.ge [sflag:s10], $0x50  }
0x1a: {  	[sflag:s10] =	ssyncset.done $0x0  }
0x1b: {  	[sflag:s10] =	ssyncadd.s32 $0xFFFFFFB0  }
0x1c: {  	[tilespmem:s3], [sflag:$0x1] =	stream.linear.gather [hbm4b:s6+s3], $0x2780, $0x38;
	[tilespmem:$0x2B00] =	vst v63  }
0x1d: {  	_ =	swait.ge [sflag:s10], $0x2780  }
0x1e: {  	[sflag:s10] =	ssyncset.done $0x0  }
0x1f: {  	[sflag:s10] =	ssyncadd.s32 $0xFFFFD880  }
0x20: {  	s16 =	simm.s32 $0x0;
	[bflag:$0x0] =	sbarrier.arrive $0xFFFF  }
0x21: {  	[spmem:s2] =	stream.indirect.scatter.add.f32 [tilespmem:s12], [sflag:$0x1], $0x1, s16, s11, $0xb8;
	[tilespmem:$0x2B00] =	vst v63  }
0x22: {  	_ =	swait.ge [sflag:s10], $0x80  }
0x23: {  	s16 =	simm.s32 $0x200;
	[sflag:s10] =	ssyncset.done $0x0  }
.LBB2_2:
0x24: {  	s17 =	sshra.s32 s16, $0x2;
	[sflag:s10] =	ssyncadd.s32 $0xFFFFFF80;
	p0 =	sne.s32 s16, $0x9C00  }
0x25: {  	[spmem:s2] =	stream.indirect.scatter.add.f32 [tilespmem:s12], [sflag:$0x1], $0x1, s17, s11, $0xb8;
	[tilespmem:$0x2B00] =	vst v63  }
.Ltmp0:
0x26: {  	_ = 	snop;
	(pc) =	sbr.rel @p0 .LBB2_2-.Ltmp0, $4  }
0x27: {  	_ = 	snop  }
0x28: {  	s16 =	sadd.s32 $0x200, s16  }
0x29: {  	_ =	swait.ge [sflag:s10], $0x80  }
0x2a: {  	[sflag:s10] =	ssyncset.done $0x0  }
0x2b: {  	s15 =	sadd.s32 $0x1, s15  }
0x2c: {  	[sflag:s10] =	ssyncadd.s32 $0xFFFFFF80;
	p0 =	sne.s32 s15, s8  }
.Ltmp1:
0x2d: {  	[bflag:$0x0] =	sbarrier.arrive $0xFFFF;
	(pc) =	sbr.rel @p0 .LBB2_1-.Ltmp1, $4  }
0x2e: {  	[hbm:s7@s13], [sflag:s5] =	dma.strided [spmem:s9@s14], $0x50, s10, $0x10   }
0x2f: {  	_ =	swait.ge [sflag:s10], $0x50  }
0x30: {  	[sflag:s10] =	ssyncset.done $0x0  }
0x31: {  	[sflag:s10] =	ssyncadd.s32 $0xFFFFFFB0  }
0x32: {  	_ =	sfence.sel $0x180000  }
0x33: {  	[bflag:$0x0] =	sbarrier.arrive $0xFFFF  }
0x34: {  	p0 =	sne.s32 s1, $0x0;
	_ =	strace $0x90000047  }
0x35: {  	s0 =	sadd.s32 @!p0 $0x100000, s0;
	[bflag:$0x2] =	sbarrier.arrive $0xFFFF  }
0x36: {  	[sflag:s0] =	ssyncadd.tile.s32 @!p0 $0x1;
	_ =	shalt  }
.Lfunc_end2:
_tile_overlayer_lowered:
.L_overlay_start_2:
0x37: {  	(tag) =	ssettag $0x2  }
0x38: {  	s0 =	rddreg [dreg:$0x0];
	s2 =	stileid.u32  }
0x39: {  	s1 =	rddreg [dreg:$0x1];
	p0 =	sne.s32 s2, $0x0  }
0x3a: {  	s3 =	rddreg [dreg:$0x2];
	[bflag:$0x3] =	sbarrier.arrive $0xFFFF;
	s2 =	simm.s32 @!p0 $0x1C01  }
0x3b: {  	[timem:s3], [sflag:s2] =	dma.local @!p0 [hbm:s0], s1  }
0x3c: {  	s0 =	simm.s32 @!p0 $0x1  }
0x3d: {  	_ =	swait.ge @!p0 [sflag:s0], s1  }
0x3e: {  	s1 =	ssub.s32 @!p0 $0x0, s1;
	[sflag:s0] =	ssyncset.done @!p0 $0x0  }
0x3f: {  	[sflag:s0] =	ssyncadd.s32 @!p0 s1  }
0x40: {  	[bflag:$0x3] =	sbarrier.arrive $0xFFFF  }
0x41: {  	_ =	shalt  }

</sc_bundles>
